<compile_context>
chip_gen: v7x
topology: tpu7x:2x2x1
jax: 0.10.2.dev20260603
libtpu: 0.0.44.dev20260713+nightly
codegen_flags: <defaults>
</compile_context>

<pallas_src>
import functools
import math

import jax
import jax.numpy as jnp
from jax import lax
from jax.experimental import pallas as pl
from jax.experimental.pallas import tpu as pltpu
from jax.experimental.pallas import tpu_sc as plsc

BINSIZE = 200
WIDTH = 20000
BINWIDTH = 100
PADW = 128
N_REGIONS = 50000
N_CLUSTERS = 8
N_FRAG = 1000000
N_CELLS = 4096
N_REGIONS_OI = 1024

NC, NS = 2, 16
NW = NC * NS

TILE = 2000
NT = N_FRAG // TILE
VECS = TILE // 16

HEIGHTS_PAD = N_REGIONS_OI * N_CLUSTERS * PADW
HS = HEIGHTS_PAD // NS

_mesh = plsc.VectorSubcoreMesh(core_axis_name="c", subcore_axis_name="s")


_G = 16


def _heights_body(s_ref, *refs):
    in_refs = refs[:2 * _G]
    o_ref = refs[2 * _G]
    i = pl.program_id(0)
    lane = lax.broadcasted_iota(jnp.int32, (1, 128), 1)
    ones = jnp.ones((1, 128), jnp.float32)
    for g in range(_G):
        bt = in_refs[g][...]
        d = in_refs[_G + g][...]
        sel = s_ref[_G * i + g] % 128
        masked = jnp.where(lane == sel, bt, 0.0)
        b = lax.dot_general(ones, masked, (((1,), (1,)), ((), ())),
                            precision=lax.Precision.HIGHEST,
                            preferred_element_type=jnp.float32)
        u = b + d[0]
        m = jnp.max(u, axis=-1, keepdims=True)
        lse = jnp.log(jnp.sum(jnp.exp(u - m), axis=-1, keepdims=True)) + m
        h = u - lse - math.log(BINSIZE)
        o_ref[g, :, :BINWIDTH] = h


def _heights(baseline_weight, delta_logit_weight, regions_oi):
    def b_spec(g):
        return pl.BlockSpec((BINWIDTH, 128),
                            lambda i, s, g=g: (0, s[_G * i + g] // 128))

    def d_spec(g):
        return pl.BlockSpec((1, N_CLUSTERS, BINWIDTH),
                            lambda i, s, g=g: (s[_G * i + g], 0, 0))

    grid_spec = pltpu.PrefetchScalarGridSpec(
        num_scalar_prefetch=1,
        grid=(N_REGIONS_OI // _G,),
        in_specs=[b_spec(g) for g in range(_G)]
                 + [d_spec(g) for g in range(_G)],
        out_specs=pl.BlockSpec((_G, N_CLUSTERS, PADW),
                               lambda i, s: (i, 0, 0)),
    )
    return pl.pallas_call(
        _heights_body,
        grid_spec=grid_spec,
        out_shape=jax.ShapeDtypeStruct((N_REGIONS_OI, N_CLUSTERS, PADW),
                                       jnp.float32),
    )(regions_oi, *([baseline_weight.T] * _G),
      *([delta_logit_weight] * _G))


@functools.partial(
    pl.kernel,
    out_type=jax.ShapeDtypeStruct((N_FRAG,), jnp.float32),
    mesh=_mesh,
    compiler_params=pltpu.CompilerParams(needs_layout_passes=False),
    scratch_types=[
        pltpu.VMEM((N_CELLS,), jnp.int32),
        pltpu.VMEM((TILE,), jnp.int32),
        pltpu.VMEM((TILE,), jnp.int32),
        pltpu.VMEM((TILE,), jnp.int32),
        pltpu.VMEM((TILE,), jnp.float32),
        pltpu.VMEM_SHARED((HEIGHTS_PAD,), jnp.float32),
        pltpu.SemaphoreType.DMA,
    ],
)
def _frag_phase(h_hbm, pidx_hbm, cell_hbm, labels_hbm, out_hbm,
                labels_v, pidx_v, cell_v, idx_v, gath_v, h_sp, sem):
    sid = lax.axis_index("s")
    cid = lax.axis_index("c")
    wid = sid * NC + cid

    pltpu.sync_copy(h_hbm.at[pl.ds(sid * HS, HS)], h_sp.at[pl.ds(sid * HS, HS)])
    pltpu.sync_copy(labels_hbm, labels_v)
    plsc.subcore_barrier()

    n_tiles = (NT - wid + NW - 1) // NW

    def tile_body(i, carry):
        t = wid + i * NW
        base = t * TILE
        pltpu.sync_copy(pidx_hbm.at[pl.ds(base, TILE)], pidx_v)
        pltpu.sync_copy(cell_hbm.at[pl.ds(base, TILE)], cell_v)

        def vec_body(j, c):
            o = j * 16
            cell = cell_v[pl.ds(o, 16)]
            pidx = pidx_v[pl.ds(o, 16)]
            clus = plsc.load_gather(labels_v, [cell])
            idx_v[pl.ds(o, 16)] = pidx + clus * PADW
            return c

        lax.fori_loop(0, VECS, vec_body, 0)

        pltpu.async_copy(h_sp.at[idx_v], gath_v, sem).wait()
        pltpu.sync_copy(gath_v, out_hbm.at[pl.ds(base, TILE)])
        return carry

    lax.fori_loop(0, n_tiles, tile_body, 0)


def kernel(baseline_weight, delta_logit_weight, inside, coordinates,
           local_region_ix, local_cell_ix, labels, regions_oi):
    heights = _heights(baseline_weight, delta_logit_weight, regions_oi)

    sig = jax.nn.sigmoid(inside)
    c_in = jnp.log(sig) - math.log(BINWIDTH)
    c_out = jnp.log(1.0 - sig) - math.log(WIDTH - BINWIDTH)

    b0 = coordinates[:, 0] // BINSIZE
    b1 = coordinates[:, 1] // BINSIZE
    pidx = local_region_ix * (N_CLUSTERS * PADW) + b0
    lp1 = jnp.where(b0 == b1, c_in, c_out).astype(jnp.float32)

    lp0 = _frag_phase(heights.reshape(HEIGHTS_PAD), pidx,
                      local_cell_ix, labels)
    return jnp.stack([lp0, lp1], axis=1)

# --- scband reference (transcript-rebuilt; emitter-appended) ---
"""Pipeline reference for scband-fragment-position-distribution2-64802466562897 (READ-ONLY COPY).

The authoritative reference and input builder live on the scoring server;
editing this copy changes nothing except your own understanding.
"""

import jax, jax.numpy as jnp
import numpy as np
import math

BINSIZE = 200
WINDOW0 = 0
WIDTH = 20000
BINWIDTH = WIDTH // BINSIZE  # 100
N_REGIONS = 50000
N_CLUSTERS = 8
N_FRAG = 1000000
N_CELLS = 4096
N_REGIONS_OI = 1024


def setup_inputs(seed: int = 0) -> dict:
    key = jax.random.key(seed)
    ks = jax.random.split(key, 8)
    return {
        "baseline_weight": jax.random.normal(ks[0], (N_REGIONS, BINWIDTH), dtype=jnp.float32),
        "delta_logit_weight": jax.random.normal(ks[1], (N_REGIONS, N_CLUSTERS, BINWIDTH), dtype=jnp.float32),
        "inside": jnp.ones((1,), dtype=jnp.float32),
        "coordinates": jax.random.randint(ks[2], (N_FRAG, 2), 0, WIDTH, dtype=jnp.int32),
        "local_region_ix": jax.random.randint(ks[3], (N_FRAG,), 0, N_REGIONS_OI, dtype=jnp.int32),
        "local_cell_ix": jax.random.randint(ks[4], (N_FRAG,), 0, N_CELLS, dtype=jnp.int32),
        "labels": jax.random.randint(ks[5], (N_CELLS,), 0, N_CLUSTERS, dtype=jnp.int32),
        "regions_oi": jax.random.randint(ks[6], (N_REGIONS_OI,), 0, N_REGIONS, dtype=jnp.int32),
    }


def reference(baseline_weight, delta_logit_weight, inside, coordinates, local_region_ix, local_cell_ix, labels, regions_oi):
    # embedding lookups over the minibatch regions
    baseline_oi = jnp.take(baseline_weight, regions_oi, axis=0)        # [R_oi, binwidth]
    delta_oi = jnp.take(delta_logit_weight, regions_oi, axis=0)        # [R_oi, n_clusters, binwidth]
    unnormalized_heights = baseline_oi[:, None, :] + delta_oi          # [R_oi, n_clusters, binwidth]
    heights_left = jax.nn.log_softmax(unnormalized_heights, axis=-1) - math.log(BINSIZE)

    bin_ixs_left = (coordinates[:, 0] - WINDOW0) // BINSIZE            # [N]
    bin_ixs_right = (coordinates[:, 1] - WINDOW0) // BINSIZE           # [N]

    cluster_per_frag = jnp.take(labels, local_cell_ix, axis=0)         # [N]
    logprob0 = heights_left[local_region_ix, cluster_per_frag, bin_ixs_left]  # [N]

    bin_ixs_match = (bin_ixs_left == bin_ixs_right).astype(jnp.float32)
    logprob_inside = jnp.log(jax.nn.sigmoid(inside)) - math.log(BINWIDTH)          # [1]
    logprob_outside = jnp.log(1.0 - jax.nn.sigmoid(inside)) - math.log(WIDTH - BINWIDTH)  # [1]
    logprob1 = logprob_inside * bin_ixs_match + logprob_outside * (1.0 - bin_ixs_match)   # [N]

    logprob = jnp.stack([logprob0, logprob1], axis=1)                  # [N, 2]
    return logprob

if __name__ == "__main__":
    import jax
    _d = setup_inputs()
    print(jax.jit(kernel)(*tuple(_d.values())))

</pallas_src>

<mosaic_0001>
#map = affine_map<(d0, d1) -> (0)>
module attributes {stable_mosaic.version = 14 : i64} {
  func.func @_frag_phase(%arg0: i32, %arg1: i32, %arg2: memref<1048576xf32, #tpu.memory_space<hbm>>, %arg3: memref<1000000xi32, #tpu.memory_space<hbm>>, %arg4: memref<1000000xi32, #tpu.memory_space<hbm>>, %arg5: memref<4096xi32, #tpu.memory_space<hbm>>, %arg6: memref<1000000xf32, #tpu.memory_space<hbm>>, %arg7: memref<4096xi32, #tpu.memory_space<vmem>>, %arg8: memref<2000xi32, #tpu.memory_space<vmem>>, %arg9: memref<2000xi32, #tpu.memory_space<vmem>>, %arg10: memref<2000xi32, #tpu.memory_space<vmem>>, %arg11: memref<2000xf32, #tpu.memory_space<vmem>>, %arg12: memref<1048576xf32, #tpu.memory_space<vmem_shared>>, %arg13: memref<!tpu.dma_semaphore, #tpu.memory_space<semaphore_mem>>) attributes {dimension_semantics = [#tpu.dimension_semantics<core_parallel>, #tpu.dimension_semantics<subcore_parallel>], iteration_bounds = array<i64: 2, 16>, scalar_prefetch = 0 : i64, scratch_operands = 7 : i64, tpu.core_type = #tpu.core_type<sc_vector_subcore>, window_params = [{transform_indices = #map}, {transform_indices = #map}, {transform_indices = #map}, {transform_indices = #map}, {transform_indices = #map}]} {
    %mul3A = arith.constant 2 : i32
    %mul3A_0 = arith.muli %arg1, %mul3A : i32
    %add3A = arith.addi %mul3A_0, %arg0 : i32
    %mul3A_1 = arith.constant 65536 : i32
    %mul3A_2 = arith.muli %arg1, %mul3A_1 : i32
    %mul3A_3 = arith.constant 65536 : i32
    %mul3A_4 = arith.muli %arg1, %mul3A_3 : i32
    "tpu.region"() ({
      %run_scoped3A = tpu.sem_alloc : memref<!tpu.dma_semaphore, #tpu.memory_space<semaphore_mem>>
      %dma_start3A = tpu.memref_slice %arg12[%mul3A_4] : memref<1048576xf32, #tpu.memory_space<vmem_shared>> -> memref<65536xf32, #tpu.memory_space<vmem_shared>>
      %dma_start3A_36 = tpu.memref_slice %arg2[%mul3A_2] : memref<1048576xf32, #tpu.memory_space<hbm>> -> memref<65536xf32, #tpu.memory_space<hbm>>
      tpu.enqueue_dma source(%dma_start3A_36 : memref<65536xf32, #tpu.memory_space<hbm>>) target(%dma_start3A : memref<65536xf32, #tpu.memory_space<vmem_shared>>) target_semaphore(%run_scoped3A : memref<!tpu.dma_semaphore, #tpu.memory_space<semaphore_mem>>)
      %dma_wait3A = tpu.memref_slice %arg12[%mul3A_4] : memref<1048576xf32, #tpu.memory_space<vmem_shared>> -> memref<65536xf32, #tpu.memory_space<vmem_shared>>
      %dma_wait3A_37 = tpu.memref_slice %arg2[%mul3A_2] : memref<1048576xf32, #tpu.memory_space<hbm>> -> memref<65536xf32, #tpu.memory_space<hbm>>
      tpu.wait_dma2 semaphore(%run_scoped3A : memref<!tpu.dma_semaphore, #tpu.memory_space<semaphore_mem>>) src(%dma_wait3A_37 : memref<65536xf32, #tpu.memory_space<hbm>>) dst(%dma_wait3A : memref<65536xf32, #tpu.memory_space<vmem_shared>>)
      tpu.yield
    }) : () -> ()
    "tpu.region"() ({
      %run_scoped3A = tpu.sem_alloc : memref<!tpu.dma_semaphore, #tpu.memory_space<semaphore_mem>>
      tpu.enqueue_dma source(%arg5 : memref<4096xi32, #tpu.memory_space<hbm>>) target(%arg7 : memref<4096xi32, #tpu.memory_space<vmem>>) target_semaphore(%run_scoped3A : memref<!tpu.dma_semaphore, #tpu.memory_space<semaphore_mem>>)
      tpu.wait_dma2 semaphore(%run_scoped3A : memref<!tpu.dma_semaphore, #tpu.memory_space<semaphore_mem>>) src(%arg5 : memref<4096xi32, #tpu.memory_space<hbm>>) dst(%arg7 : memref<4096xi32, #tpu.memory_space<vmem>>)
      tpu.yield
    }) : () -> ()
    %barrier3A = arith.constant 0 : index
    tpu.barrier barrier_id(%barrier3A)
    %sub3A = arith.constant 500 : i32
    %sub3A_5 = arith.subi %sub3A, %add3A : i32
    %add3A_6 = arith.constant 32 : i32
    %add3A_7 = arith.addi %sub3A_5, %add3A_6 : i32
    %sub3A_8 = arith.constant 1 : i32
    %sub3A_9 = arith.subi %add3A_7, %sub3A_8 : i32
    %jit3A = arith.constant 32 : i32
    %div3A = arith.divsi %sub3A_9, %jit3A : i32
    %sign3A = arith.constant 0 : i32
    %sign3A_10 = arith.cmpi sgt, %sub3A_9, %sign3A : i32
    %sign3A_11 = arith.extui %sign3A_10 : i1 to i32
    %sign3A_12 = arith.constant 0 : i32
    %sign3A_13 = arith.cmpi slt, %sub3A_9, %sign3A_12 : i32
    %sign3A_14 = arith.extui %sign3A_13 : i1 to i32
    %sign3A_15 = arith.subi %sign3A_11, %sign3A_14 : i32
    %sign3A_16 = arith.constant 0 : i32
    %sign3A_17 = arith.cmpi sgt, %jit3A, %sign3A_16 : i32
    %sign3A_18 = arith.extui %sign3A_17 : i1 to i32
    %sign3A_19 = arith.constant 0 : i32
    %sign3A_20 = arith.cmpi slt, %jit3A, %sign3A_19 : i32
    %sign3A_21 = arith.extui %sign3A_20 : i1 to i32
    %sign3A_22 = arith.subi %sign3A_18, %sign3A_21 : i32
    %ne3A = arith.cmpi ne, %sign3A_15, %sign3A_22 : i32
    %rem3A = arith.remsi %sub3A_9, %jit3A : i32
    %ne3A_23 = arith.constant 0 : i32
    %ne3A_24 = arith.cmpi ne, %rem3A, %ne3A_23 : i32
    %and3A = arith.andi %ne3A, %ne3A_24 : i1
    %sub3A_25 = arith.constant 1 : i32
    %sub3A_26 = arith.subi %div3A, %sub3A_25 : i32
    %select_n3A = arith.select %and3A, %sub3A_26, %div3A : i32
    %while3A = arith.constant 0 : i32
    %while3A_27 = arith.constant 0 : i32
    %while3A_28 = arith.subi %select_n3A, %while3A_27 : i32
    %while3A_29 = arith.addi %while3A_27, %while3A_28 : i32
    %while3A_30 = arith.constant 1 : i32
    %while3A_31 = arith.divsi %while3A_28, %while3A_30 : i32
    %while3A_32 = arith.muli %while3A_31, %while3A_30 : i32
    %while3A_33 = arith.addi %while3A_27, %while3A_32 : i32
    %while3A_34 = arith.constant 1 : i32
    scf.for %while3A_36 = %while3A_27 to %while3A_33 step %while3A_34  : i32 {
      %mul3A_37 = arith.constant 32 : i32
      %mul3A_38 = arith.muli %while3A_36, %mul3A_37 : i32
      %add3A_39 = arith.addi %add3A, %mul3A_38 : i32
      %mul3A_40 = arith.constant 2000 : i32
      %mul3A_41 = arith.muli %add3A_39, %mul3A_40 : i32
      "tpu.region"() ({
        %run_scoped3A = tpu.sem_alloc : memref<!tpu.dma_semaphore, #tpu.memory_space<semaphore_mem>>
        %dma_start3A_49 = tpu.memref_slice %arg3[%mul3A_41] : memref<1000000xi32, #tpu.memory_space<hbm>> -> memref<2000xi32, #tpu.memory_space<hbm>>
        %dma_start3A_50 = tpu.memref_slice %arg3[%mul3A_41] : memref<1000000xi32, #tpu.memory_space<hbm>> -> memref<2000xi32, #tpu.memory_space<hbm>>
        tpu.enqueue_dma source(%dma_start3A_50 : memref<2000xi32, #tpu.memory_space<hbm>>) target(%arg8 : memref<2000xi32, #tpu.memory_space<vmem>>) target_semaphore(%run_scoped3A : memref<!tpu.dma_semaphore, #tpu.memory_space<semaphore_mem>>)
        %dma_wait3A_51 = tpu.memref_slice %arg3[%mul3A_41] : memref<1000000xi32, #tpu.memory_space<hbm>> -> memref<2000xi32, #tpu.memory_space<hbm>>
        %dma_wait3A_52 = tpu.memref_slice %arg3[%mul3A_41] : memref<1000000xi32, #tpu.memory_space<hbm>> -> memref<2000xi32, #tpu.memory_space<hbm>>
        tpu.wait_dma2 semaphore(%run_scoped3A : memref<!tpu.dma_semaphore, #tpu.memory_space<semaphore_mem>>) src(%dma_wait3A_52 : memref<2000xi32, #tpu.memory_space<hbm>>) dst(%arg8 : memref<2000xi32, #tpu.memory_space<vmem>>)
        tpu.yield
      }) : () -> ()
      "tpu.region"() ({
        %run_scoped3A = tpu.sem_alloc : memref<!tpu.dma_semaphore, #tpu.memory_space<semaphore_mem>>
        %dma_start3A_49 = tpu.memref_slice %arg4[%mul3A_41] : memref<1000000xi32, #tpu.memory_space<hbm>> -> memref<2000xi32, #tpu.memory_space<hbm>>
        %dma_start3A_50 = tpu.memref_slice %arg4[%mul3A_41] : memref<1000000xi32, #tpu.memory_space<hbm>> -> memref<2000xi32, #tpu.memory_space<hbm>>
        tpu.enqueue_dma source(%dma_start3A_50 : memref<2000xi32, #tpu.memory_space<hbm>>) target(%arg9 : memref<2000xi32, #tpu.memory_space<vmem>>) target_semaphore(%run_scoped3A : memref<!tpu.dma_semaphore, #tpu.memory_space<semaphore_mem>>)
        %dma_wait3A_51 = tpu.memref_slice %arg4[%mul3A_41] : memref<1000000xi32, #tpu.memory_space<hbm>> -> memref<2000xi32, #tpu.memory_space<hbm>>
        %dma_wait3A_52 = tpu.memref_slice %arg4[%mul3A_41] : memref<1000000xi32, #tpu.memory_space<hbm>> -> memref<2000xi32, #tpu.memory_space<hbm>>
        tpu.wait_dma2 semaphore(%run_scoped3A : memref<!tpu.dma_semaphore, #tpu.memory_space<semaphore_mem>>) src(%dma_wait3A_52 : memref<2000xi32, #tpu.memory_space<hbm>>) dst(%arg9 : memref<2000xi32, #tpu.memory_space<vmem>>)
        tpu.yield
      }) : () -> ()
      %scan3A = arith.constant 0 : i32
      %scan3A_42 = arith.constant 0 : i32
      %scan3A_43 = arith.constant 125 : i32
      %scan3A_44 = arith.addi %scan3A_42, %scan3A_43 : i32
      %scan3A_45 = arith.constant 1 : i32
      scf.for %scan3A_49 = %scan3A_42 to %scan3A_44 step %scan3A_45  : i32 {
        %mul3A_50 = arith.constant 16 : i32
        %mul3A_51 = arith.muli %scan3A_49, %mul3A_50 : i32
        %get3A = arith.index_cast %mul3A_51 : i32 to index
        %get3A_52 = tpu.vector_load %arg9[%get3A] {strides = array<i32>} : memref<2000xi32, #tpu.memory_space<vmem>>, vector<16xi32>,
        %get3A_53 = arith.index_cast %mul3A_51 : i32 to index
        %get3A_54 = tpu.vector_load %arg8[%get3A_53] {strides = array<i32>} : memref<2000xi32, #tpu.memory_space<vmem>>, vector<16xi32>,
        %gather3A = tpu.vector_load_idx %arg7[%get3A_52] : memref<4096xi32, #tpu.memory_space<vmem>>[vector<16xi32>], vector<16xi32>,
        %mul3A_55 = arith.constant 128 : i32
        %mul3A_56 = vector.broadcast %mul3A_55 : i32 to vector<16xi32>
        %mul3A_57 = arith.muli %gather3A, %mul3A_56 : vector<16xi32>
        %add3A_58 = arith.addi %get3A_54, %mul3A_57 : vector<16xi32>
        %swap3A = arith.index_cast %mul3A_51 : i32 to index
        %swap3A_59 = tpu.vector_load %arg10[%swap3A] {strides = array<i32>} : memref<2000xi32, #tpu.memory_space<vmem>>, vector<16xi32>,
        tpu.vector_store %arg10[%swap3A], %add3A_58 {strides = array<i32>} : memref<2000xi32, #tpu.memory_space<vmem>>, vector<16xi32>,
      }
      %scan3A_46 = arith.constant 125 : i32
      %dma_start3A = arith.constant 0 : i32
      %dma_start3A_47 = tpu.memref_slice %arg12[%dma_start3A] : memref<1048576xf32, #tpu.memory_space<vmem_shared>> -> memref<1048576xf32, #tpu.memory_space<vmem_shared>>
      tpu.enqueue_indirect_dma source(%dma_start3A_47 : memref<1048576xf32, #tpu.memory_space<vmem_shared>>) target(%arg11 : memref<2000xf32, #tpu.memory_space<vmem>>) offsets(%arg10 : memref<2000xi32, #tpu.memory_space<vmem>>) semaphore(%arg13 : memref<!tpu.dma_semaphore, #tpu.memory_space<semaphore_mem>>)
      %dma_wait3A = arith.constant 0 : i32
      %dma_wait3A_48 = tpu.memref_slice %arg12[%dma_wait3A] : memref<1048576xf32, #tpu.memory_space<vmem_shared>> -> memref<1048576xf32, #tpu.memory_space<vmem_shared>>
      tpu.wait_indirect_dma semaphore(%arg13 : memref<!tpu.dma_semaphore, #tpu.memory_space<semaphore_mem>>) src(%dma_wait3A_48 : memref<1048576xf32, #tpu.memory_space<vmem_shared>>) dst(%arg11 : memref<2000xf32, #tpu.memory_space<vmem>>)
      "tpu.region"() ({
        %run_scoped3A = tpu.sem_alloc : memref<!tpu.dma_semaphore, #tpu.memory_space<semaphore_mem>>
        %dma_start3A_49 = tpu.memref_slice %arg6[%mul3A_41] : memref<1000000xf32, #tpu.memory_space<hbm>> -> memref<2000xf32, #tpu.memory_space<hbm>>
        %dma_start3A_50 = tpu.memref_slice %arg6[%mul3A_41] : memref<1000000xf32, #tpu.memory_space<hbm>> -> memref<2000xf32, #tpu.memory_space<hbm>>
        tpu.enqueue_dma source(%arg11 : memref<2000xf32, #tpu.memory_space<vmem>>) target(%dma_start3A_50 : memref<2000xf32, #tpu.memory_space<hbm>>) target_semaphore(%run_scoped3A : memref<!tpu.dma_semaphore, #tpu.memory_space<semaphore_mem>>)
        %dma_wait3A_51 = tpu.memref_slice %arg6[%mul3A_41] : memref<1000000xf32, #tpu.memory_space<hbm>> -> memref<2000xf32, #tpu.memory_space<hbm>>
        %dma_wait3A_52 = tpu.memref_slice %arg6[%mul3A_41] : memref<1000000xf32, #tpu.memory_space<hbm>> -> memref<2000xf32, #tpu.memory_space<hbm>>
        tpu.wait_dma2 semaphore(%run_scoped3A : memref<!tpu.dma_semaphore, #tpu.memory_space<semaphore_mem>>) src(%arg11 : memref<2000xf32, #tpu.memory_space<vmem>>) dst(%dma_wait3A_52 : memref<2000xf32, #tpu.memory_space<hbm>>)
        tpu.yield
      }) : () -> ()
    }
    %while3A_35 = arith.constant 1 : i32
    scf.for %while3A_36 = %while3A_33 to %while3A_29 step %while3A_35  : i32 {
      %mul3A_37 = arith.constant 32 : i32
      %mul3A_38 = arith.muli %while3A_36, %mul3A_37 : i32
      %add3A_39 = arith.addi %add3A, %mul3A_38 : i32
      %mul3A_40 = arith.constant 2000 : i32
      %mul3A_41 = arith.muli %add3A_39, %mul3A_40 : i32
      "tpu.region"() ({
        %run_scoped3A = tpu.sem_alloc : memref<!tpu.dma_semaphore, #tpu.memory_space<semaphore_mem>>
        %dma_start3A_49 = tpu.memref_slice %arg3[%mul3A_41] : memref<1000000xi32, #tpu.memory_space<hbm>> -> memref<2000xi32, #tpu.memory_space<hbm>>
        %dma_start3A_50 = tpu.memref_slice %arg3[%mul3A_41] : memref<1000000xi32, #tpu.memory_space<hbm>> -> memref<2000xi32, #tpu.memory_space<hbm>>
        tpu.enqueue_dma source(%dma_start3A_50 : memref<2000xi32, #tpu.memory_space<hbm>>) target(%arg8 : memref<2000xi32, #tpu.memory_space<vmem>>) target_semaphore(%run_scoped3A : memref<!tpu.dma_semaphore, #tpu.memory_space<semaphore_mem>>)
        %dma_wait3A_51 = tpu.memref_slice %arg3[%mul3A_41] : memref<1000000xi32, #tpu.memory_space<hbm>> -> memref<2000xi32, #tpu.memory_space<hbm>>
        %dma_wait3A_52 = tpu.memref_slice %arg3[%mul3A_41] : memref<1000000xi32, #tpu.memory_space<hbm>> -> memref<2000xi32, #tpu.memory_space<hbm>>
        tpu.wait_dma2 semaphore(%run_scoped3A : memref<!tpu.dma_semaphore, #tpu.memory_space<semaphore_mem>>) src(%dma_wait3A_52 : memref<2000xi32, #tpu.memory_space<hbm>>) dst(%arg8 : memref<2000xi32, #tpu.memory_space<vmem>>)
        tpu.yield
      }) : () -> ()
      "tpu.region"() ({
        %run_scoped3A = tpu.sem_alloc : memref<!tpu.dma_semaphore, #tpu.memory_space<semaphore_mem>>
        %dma_start3A_49 = tpu.memref_slice %arg4[%mul3A_41] : memref<1000000xi32, #tpu.memory_space<hbm>> -> memref<2000xi32, #tpu.memory_space<hbm>>
        %dma_start3A_50 = tpu.memref_slice %arg4[%mul3A_41] : memref<1000000xi32, #tpu.memory_space<hbm>> -> memref<2000xi32, #tpu.memory_space<hbm>>
        tpu.enqueue_dma source(%dma_start3A_50 : memref<2000xi32, #tpu.memory_space<hbm>>) target(%arg9 : memref<2000xi32, #tpu.memory_space<vmem>>) target_semaphore(%run_scoped3A : memref<!tpu.dma_semaphore, #tpu.memory_space<semaphore_mem>>)
        %dma_wait3A_51 = tpu.memref_slice %arg4[%mul3A_41] : memref<1000000xi32, #tpu.memory_space<hbm>> -> memref<2000xi32, #tpu.memory_space<hbm>>
        %dma_wait3A_52 = tpu.memref_slice %arg4[%mul3A_41] : memref<1000000xi32, #tpu.memory_space<hbm>> -> memref<2000xi32, #tpu.memory_space<hbm>>
        tpu.wait_dma2 semaphore(%run_scoped3A : memref<!tpu.dma_semaphore, #tpu.memory_space<semaphore_mem>>) src(%dma_wait3A_52 : memref<2000xi32, #tpu.memory_space<hbm>>) dst(%arg9 : memref<2000xi32, #tpu.memory_space<vmem>>)
        tpu.yield
      }) : () -> ()
      %scan3A = arith.constant 0 : i32
      %scan3A_42 = arith.constant 0 : i32
      %scan3A_43 = arith.constant 125 : i32
      %scan3A_44 = arith.addi %scan3A_42, %scan3A_43 : i32
      %scan3A_45 = arith.constant 1 : i32
      scf.for %scan3A_49 = %scan3A_42 to %scan3A_44 step %scan3A_45  : i32 {
        %mul3A_50 = arith.constant 16 : i32
        %mul3A_51 = arith.muli %scan3A_49, %mul3A_50 : i32
        %get3A = arith.index_cast %mul3A_51 : i32 to index
        %get3A_52 = tpu.vector_load %arg9[%get3A] {strides = array<i32>} : memref<2000xi32, #tpu.memory_space<vmem>>, vector<16xi32>,
        %get3A_53 = arith.index_cast %mul3A_51 : i32 to index
        %get3A_54 = tpu.vector_load %arg8[%get3A_53] {strides = array<i32>} : memref<2000xi32, #tpu.memory_space<vmem>>, vector<16xi32>,
        %gather3A = tpu.vector_load_idx %arg7[%get3A_52] : memref<4096xi32, #tpu.memory_space<vmem>>[vector<16xi32>], vector<16xi32>,
        %mul3A_55 = arith.constant 128 : i32
        %mul3A_56 = vector.broadcast %mul3A_55 : i32 to vector<16xi32>
        %mul3A_57 = arith.muli %gather3A, %mul3A_56 : vector<16xi32>
        %add3A_58 = arith.addi %get3A_54, %mul3A_57 : vector<16xi32>
        %swap3A = arith.index_cast %mul3A_51 : i32 to index
        %swap3A_59 = tpu.vector_load %arg10[%swap3A] {strides = array<i32>} : memref<2000xi32, #tpu.memory_space<vmem>>, vector<16xi32>,
        tpu.vector_store %arg10[%swap3A], %add3A_58 {strides = array<i32>} : memref<2000xi32, #tpu.memory_space<vmem>>, vector<16xi32>,
      }
      %scan3A_46 = arith.constant 125 : i32
      %dma_start3A = arith.constant 0 : i32
      %dma_start3A_47 = tpu.memref_slice %arg12[%dma_start3A] : memref<1048576xf32, #tpu.memory_space<vmem_shared>> -> memref<1048576xf32, #tpu.memory_space<vmem_shared>>
      tpu.enqueue_indirect_dma source(%dma_start3A_47 : memref<1048576xf32, #tpu.memory_space<vmem_shared>>) target(%arg11 : memref<2000xf32, #tpu.memory_space<vmem>>) offsets(%arg10 : memref<2000xi32, #tpu.memory_space<vmem>>) semaphore(%arg13 : memref<!tpu.dma_semaphore, #tpu.memory_space<semaphore_mem>>)
      %dma_wait3A = arith.constant 0 : i32
      %dma_wait3A_48 = tpu.memref_slice %arg12[%dma_wait3A] : memref<1048576xf32, #tpu.memory_space<vmem_shared>> -> memref<1048576xf32, #tpu.memory_space<vmem_shared>>
      tpu.wait_indirect_dma semaphore(%arg13 : memref<!tpu.dma_semaphore, #tpu.memory_space<semaphore_mem>>) src(%dma_wait3A_48 : memref<1048576xf32, #tpu.memory_space<vmem_shared>>) dst(%arg11 : memref<2000xf32, #tpu.memory_space<vmem>>)
      "tpu.region"() ({
        %run_scoped3A = tpu.sem_alloc : memref<!tpu.dma_semaphore, #tpu.memory_space<semaphore_mem>>
        %dma_start3A_49 = tpu.memref_slice %arg6[%mul3A_41] : memref<1000000xf32, #tpu.memory_space<hbm>> -> memref<2000xf32, #tpu.memory_space<hbm>>
        %dma_start3A_50 = tpu.memref_slice %arg6[%mul3A_41] : memref<1000000xf32, #tpu.memory_space<hbm>> -> memref<2000xf32, #tpu.memory_space<hbm>>
        tpu.enqueue_dma source(%arg11 : memref<2000xf32, #tpu.memory_space<vmem>>) target(%dma_start3A_50 : memref<2000xf32, #tpu.memory_space<hbm>>) target_semaphore(%run_scoped3A : memref<!tpu.dma_semaphore, #tpu.memory_space<semaphore_mem>>)
        %dma_wait3A_51 = tpu.memref_slice %arg6[%mul3A_41] : memref<1000000xf32, #tpu.memory_space<hbm>> -> memref<2000xf32, #tpu.memory_space<hbm>>
        %dma_wait3A_52 = tpu.memref_slice %arg6[%mul3A_41] : memref<1000000xf32, #tpu.memory_space<hbm>> -> memref<2000xf32, #tpu.memory_space<hbm>>
        tpu.wait_dma2 semaphore(%run_scoped3A : memref<!tpu.dma_semaphore, #tpu.memory_space<semaphore_mem>>) src(%arg11 : memref<2000xf32, #tpu.memory_space<vmem>>) dst(%dma_wait3A_52 : memref<2000xf32, #tpu.memory_space<hbm>>)
        tpu.yield
      }) : () -> ()
    }
    return
  }
}

module attributes {stable_mosaic.version = 14 : i64} {
  func.func @_heights_body(%arg0: i32, %arg1: memref<1024xi32, #tpu.memory_space<smem>>, %arg2: memref<100x128xf32, #tpu.memory_space<vmem>>, %arg3: memref<100x128xf32, #tpu.memory_space<vmem>>, %arg4: memref<100x128xf32, #tpu.memory_space<vmem>>, %arg5: memref<100x128xf32, #tpu.memory_space<vmem>>, %arg6: memref<100x128xf32, #tpu.memory_space<vmem>>, %arg7: memref<100x128xf32, #tpu.memory_space<vmem>>, %arg8: memref<100x128xf32, #tpu.memory_space<vmem>>, %arg9: memref<100x128xf32, #tpu.memory_space<vmem>>, %arg10: memref<100x128xf32, #tpu.memory_space<vmem>>, %arg11: memref<100x128xf32, #tpu.memory_space<vmem>>, %arg12: memref<100x128xf32, #tpu.memory_space<vmem>>, %arg13: memref<100x128xf32, #tpu.memory_space<vmem>>, %arg14: memref<100x128xf32, #tpu.memory_space<vmem>>, %arg15: memref<100x128xf32, #tpu.memory_space<vmem>>, %arg16: memref<100x128xf32, #tpu.memory_space<vmem>>, %arg17: memref<100x128xf32, #tpu.memory_space<vmem>>, %arg18: memref<1x8x100xf32, #tpu.memory_space<vmem>>, %arg19: memref<1x8x100xf32, #tpu.memory_space<vmem>>, %arg20: memref<1x8x100xf32, #tpu.memory_space<vmem>>, %arg21: memref<1x8x100xf32, #tpu.memory_space<vmem>>, %arg22: memref<1x8x100xf32, #tpu.memory_space<vmem>>, %arg23: memref<1x8x100xf32, #tpu.memory_space<vmem>>, %arg24: memref<1x8x100xf32, #tpu.memory_space<vmem>>, %arg25: memref<1x8x100xf32, #tpu.memory_space<vmem>>, %arg26: memref<1x8x100xf32, #tpu.memory_space<vmem>>, %arg27: memref<1x8x100xf32, #tpu.memory_space<vmem>>, %arg28: memref<1x8x100xf32, #tpu.memory_space<vmem>>, %arg29: memref<1x8x100xf32, #tpu.memory_space<vmem>>, %arg30: memref<1x8x100xf32, #tpu.memory_space<vmem>>, %arg31: memref<1x8x100xf32, #tpu.memory_space<vmem>>, %arg32: memref<1x8x100xf32, #tpu.memory_space<vmem>>, %arg33: memref<1x8x100xf32, #tpu.memory_space<vmem>>, %arg34: memref<16x8x128xf32, #tpu.memory_space<vmem>>) attributes {dimension_semantics = [#tpu.dimension_semantics<arbitrary>], iteration_bounds = array<i64: 64>, scalar_prefetch = 1 : i64, scratch_operands = 0 : i64, tpu.core_type = #tpu.core_type<tc>, window_params = [{transform_indices = @transform_0, window_bounds = array<i64: 100, 128>}, {transform_indices = @transform_1, window_bounds = array<i64: 100, 128>}, {transform_indices = @transform_2, window_bounds = array<i64: 100, 128>}, {transform_indices = @transform_3, window_bounds = array<i64: 100, 128>}, {transform_indices = @transform_4, window_bounds = array<i64: 100, 128>}, {transform_indices = @transform_5, window_bounds = array<i64: 100, 128>}, {transform_indices = @transform_6, window_bounds = array<i64: 100, 128>}, {transform_indices = @transform_7, window_bounds = array<i64: 100, 128>}, {transform_indices = @transform_8, window_bounds = array<i64: 100, 128>}, {transform_indices = @transform_9, window_bounds = array<i64: 100, 128>}, {transform_indices = @transform_10, window_bounds = array<i64: 100, 128>}, {transform_indices = @transform_11, window_bounds = array<i64: 100, 128>}, {transform_indices = @transform_12, window_bounds = array<i64: 100, 128>}, {transform_indices = @transform_13, window_bounds = array<i64: 100, 128>}, {transform_indices = @transform_14, window_bounds = array<i64: 100, 128>}, {transform_indices = @transform_15, window_bounds = array<i64: 100, 128>}, {transform_indices = @transform_16, window_bounds = array<i64: 1, 8, 100>}, {transform_indices = @transform_17, window_bounds = array<i64: 1, 8, 100>}, {transform_indices = @transform_18, window_bounds = array<i64: 1, 8, 100>}, {transform_indices = @transform_19, window_bounds = array<i64: 1, 8, 100>}, {transform_indices = @transform_20, window_bounds = array<i64: 1, 8, 100>}, {transform_indices = @transform_21, window_bounds = array<i64: 1, 8, 100>}, {transform_indices = @transform_22, window_bounds = array<i64: 1, 8, 100>}, {transform_indices = @transform_23, window_bounds = array<i64: 1, 8, 100>}, {transform_indices = @transform_24, window_bounds = array<i64: 1, 8, 100>}, {transform_indices = @transform_25, window_bounds = array<i64: 1, 8, 100>}, {transform_indices = @transform_26, window_bounds = array<i64: 1, 8, 100>}, {transform_indices = @transform_27, window_bounds = array<i64: 1, 8, 100>}, {transform_indices = @transform_28, window_bounds = array<i64: 1, 8, 100>}, {transform_indices = @transform_29, window_bounds = array<i64: 1, 8, 100>}, {transform_indices = @transform_30, window_bounds = array<i64: 1, 8, 100>}, {transform_indices = @transform_31, window_bounds = array<i64: 1, 8, 100>}, {transform_indices = @transform_32, window_bounds = array<i64: 16, 8, 128>}]} {
    %iota3A = tpu.iota {dimensions = array<i32: 1>} : vector<1x128xi32>
    %broadcast_in_dim3A = arith.constant 1.000000e+00 : f32
    %broadcast_in_dim3A_0 = vector.broadcast %broadcast_in_dim3A : f32 to vector<1x128xf32>
    %get3A = arith.constant 0 : index
    %get3A_1 = arith.constant 0 : index
    %get3A_2 = vector.load %arg2[%get3A, %get3A_1] : memref<100x128xf32, #tpu.memory_space<vmem>>, vector<100x128xf32>
    %get3A_3 = arith.constant 0 : index
    %get3A_4 = arith.constant 0 : index
    %get3A_5 = arith.constant 0 : index
    %get3A_6 = vector.load %arg18[%get3A_3, %get3A_4, %get3A_5] : memref<1x8x100xf32, #tpu.memory_space<vmem>>, vector<1x8x100xf32>
    %mul3A = arith.constant 16 : i32
    %mul3A_7 = arith.muli %mul3A, %arg0 : i32
    %add3A = arith.constant 0 : i32
    %add3A_8 = arith.addi %mul3A_7, %add3A : i32
    %get3A_9 = arith.index_cast %add3A_8 : i32 to index
    %get3A_10 = memref.load %arg1[%get3A_9] : memref<1024xi32, #tpu.memory_space<smem>>
    %jit3A = arith.constant 128 : i32
    %eq3A = arith.constant 0 : i32
    %eq3A_11 = arith.cmpi eq, %jit3A, %eq3A : i32
    %jit3A_12 = arith.constant 1 : i32
    %select_n3A = arith.select %eq3A_11, %jit3A_12, %jit3A : i32
    %rem3A = arith.remsi %get3A_10, %select_n3A : i32
    %ne3A = arith.constant 0 : i32
    %ne3A_13 = arith.cmpi ne, %rem3A, %ne3A : i32
    %lt3A = arith.constant 0 : i32
    %lt3A_14 = arith.cmpi slt, %rem3A, %lt3A : i32
    %lt3A_15 = arith.constant 0 : i32
    %lt3A_16 = arith.cmpi slt, %select_n3A, %lt3A_15 : i32
    %ne3A_17 = arith.xori %lt3A_14, %lt3A_16 : i1
    %and3A = arith.andi %ne3A_17, %ne3A_13 : i1
    %add3A_18 = arith.addi %rem3A, %select_n3A : i32
    %select_n3A_19 = arith.select %and3A, %add3A_18, %rem3A : i32
    %eq3A_20 = vector.broadcast %select_n3A_19 : i32 to vector<1x128xi32>
    %eq3A_21 = arith.cmpi eq, %iota3A, %eq3A_20 : vector<1x128xi32>
    %jit3A_22 = arith.constant 0.000000e+00 : f32
    %broadcast_in_dim3A_23 = vector.shape_cast %eq3A_21 : vector<1x128xi1> to vector<1x128xi1>
    %broadcast_in_dim3A_24 = vector.broadcast %broadcast_in_dim3A_23 : vector<1x128xi1> to vector<100x128xi1>
    %broadcast_in_dim3A_25 = vector.broadcast %jit3A_22 : f32 to vector<100x128xf32>
    %select_n3A_26 = arith.select %broadcast_in_dim3A_24, %get3A_2, %broadcast_in_dim3A_25 : vector<100x128xi1>, vector<100x128xf32>
    %dot_general3A = arith.constant dense<0.000000e+00> : vector<1x100xf32>
    %dot_general3A_27 = tpu.matmul %broadcast_in_dim3A_0, %select_n3A_26, %dot_general3A {dimension_numbers = #tpu.dot_dimension_numbers<[1], [1], [0], [0], [0, 0, 1, 0], [], []>, precision = #tpu.contract_precision<fp32>, transpose_lhs_hint = false} : vector<1x128xf32>, vector<100x128xf32>, vector<1x100xf32> -> vector<1x100xf32>
    %squeeze3A = vector.shape_cast %get3A_6 : vector<1x8x100xf32> to vector<8x100xf32>
    %add3A_28 = vector.broadcast %dot_general3A_27 : vector<1x100xf32> to vector<8x100xf32>
    %add3A_29 = arith.addf %add3A_28, %squeeze3A : vector<8x100xf32>
    %reduce_max3A = arith.constant dense<0xFF800000> : vector<8xf32>
    %reduce_max3A_30 = vector.multi_reduction <maximumf>, %add3A_29, %reduce_max3A [1] : vector<8x100xf32> to vector<8xf32>
    %broadcast_in_dim3A_31 = vector.shape_cast %reduce_max3A_30 : vector<8xf32> to vector<8x1xf32>
    %sub3A = vector.broadcast %broadcast_in_dim3A_31 : vector<8x1xf32> to vector<8x100xf32>
    %sub3A_32 = arith.subf %add3A_29, %sub3A : vector<8x100xf32>
    %exp3A = math.exp %sub3A_32 : vector<8x100xf32>
    %reduce_sum3A = arith.constant dense<0.000000e+00> : vector<8xf32>
    %reduce_sum3A_33 = vector.multi_reduction <add>, %exp3A, %reduce_sum3A [1] : vector<8x100xf32> to vector<8xf32>
    %broadcast_in_dim3A_34 = vector.shape_cast %reduce_sum3A_33 : vector<8xf32> to vector<8x1xf32>
    %log3A = math.log %broadcast_in_dim3A_34 : vector<8x1xf32>
    %add3A_35 = arith.addf %log3A, %broadcast_in_dim3A_31 : vector<8x1xf32>
    %sub3A_36 = vector.broadcast %add3A_35 : vector<8x1xf32> to vector<8x100xf32>
    %sub3A_37 = arith.subf %add3A_29, %sub3A_36 : vector<8x100xf32>
    %sub3A_38 = arith.constant 5.29831743 : f32
    %sub3A_39 = vector.broadcast %sub3A_38 : f32 to vector<8x100xf32>
    %sub3A_40 = arith.subf %sub3A_37, %sub3A_39 : vector<8x100xf32>
    %swap3A = arith.constant 0 : index
    %swap3A_41 = arith.constant 0 : index
    %swap3A_42 = arith.constant 0 : index
    %swap3A_43 = vector.load %arg34[%swap3A, %swap3A_41, %swap3A_42] : memref<16x8x128xf32, #tpu.memory_space<vmem>>, vector<1x8x100xf32>
    %swap3A_44 = vector.shape_cast %swap3A_43 : vector<1x8x100xf32> to vector<8x100xf32>
    %swap3A_45 = vector.shape_cast %sub3A_40 : vector<8x100xf32> to vector<1x8x100xf32>
    tpu.vector_store %arg34[%swap3A, %swap3A_41, %swap3A_42], %swap3A_45 {strides = array<i32>} : memref<16x8x128xf32, #tpu.memory_space<vmem>>, vector<1x8x100xf32>,
    %get3A_46 = arith.constant 0 : index
    %get3A_47 = arith.constant 0 : index
    %get3A_48 = vector.load %arg3[%get3A_46, %get3A_47] : memref<100x128xf32, #tpu.memory_space<vmem>>, vector<100x128xf32>
    %get3A_49 = arith.constant 0 : index
    %get3A_50 = arith.constant 0 : index
    %get3A_51 = arith.constant 0 : index
    %get3A_52 = vector.load %arg19[%get3A_49, %get3A_50, %get3A_51] : memref<1x8x100xf32, #tpu.memory_space<vmem>>, vector<1x8x100xf32>
    %mul3A_53 = arith.constant 16 : i32
    %mul3A_54 = arith.muli %mul3A_53, %arg0 : i32
    %add3A_55 = arith.constant 1 : i32
    %add3A_56 = arith.addi %mul3A_54, %add3A_55 : i32
    %get3A_57 = arith.index_cast %add3A_56 : i32 to index
    %get3A_58 = memref.load %arg1[%get3A_57] : memref<1024xi32, #tpu.memory_space<smem>>
    %jit3A_59 = arith.constant 128 : i32
    %eq3A_60 = arith.constant 0 : i32
    %eq3A_61 = arith.cmpi eq, %jit3A_59, %eq3A_60 : i32
    %jit3A_62 = arith.constant 1 : i32
    %select_n3A_63 = arith.select %eq3A_61, %jit3A_62, %jit3A_59 : i32
    %rem3A_64 = arith.remsi %get3A_58, %select_n3A_63 : i32
    %ne3A_65 = arith.constant 0 : i32
    %ne3A_66 = arith.cmpi ne, %rem3A_64, %ne3A_65 : i32
    %lt3A_67 = arith.constant 0 : i32
    %lt3A_68 = arith.cmpi slt, %rem3A_64, %lt3A_67 : i32
    %lt3A_69 = arith.constant 0 : i32
    %lt3A_70 = arith.cmpi slt, %select_n3A_63, %lt3A_69 : i32
    %ne3A_71 = arith.xori %lt3A_68, %lt3A_70 : i1
    %and3A_72 = arith.andi %ne3A_71, %ne3A_66 : i1
    %add3A_73 = arith.addi %rem3A_64, %select_n3A_63 : i32
    %select_n3A_74 = arith.select %and3A_72, %add3A_73, %rem3A_64 : i32
    %eq3A_75 = vector.broadcast %select_n3A_74 : i32 to vector<1x128xi32>
    %eq3A_76 = arith.cmpi eq, %iota3A, %eq3A_75 : vector<1x128xi32>
    %jit3A_77 = arith.constant 0.000000e+00 : f32
    %broadcast_in_dim3A_78 = vector.shape_cast %eq3A_76 : vector<1x128xi1> to vector<1x128xi1>
    %broadcast_in_dim3A_79 = vector.broadcast %broadcast_in_dim3A_78 : vector<1x128xi1> to vector<100x128xi1>
    %broadcast_in_dim3A_80 = vector.broadcast %jit3A_77 : f32 to vector<100x128xf32>
    %select_n3A_81 = arith.select %broadcast_in_dim3A_79, %get3A_48, %broadcast_in_dim3A_80 : vector<100x128xi1>, vector<100x128xf32>
    %dot_general3A_82 = arith.constant dense<0.000000e+00> : vector<1x100xf32>
    %dot_general3A_83 = tpu.matmul %broadcast_in_dim3A_0, %select_n3A_81, %dot_general3A_82 {dimension_numbers = #tpu.dot_dimension_numbers<[1], [1], [0], [0], [0, 0, 1, 0], [], []>, precision = #tpu.contract_precision<fp32>, transpose_lhs_hint = false} : vector<1x128xf32>, vector<100x128xf32>, vector<1x100xf32> -> vector<1x100xf32>
    %squeeze3A_84 = vector.shape_cast %get3A_52 : vector<1x8x100xf32> to vector<8x100xf32>
    %add3A_85 = vector.broadcast %dot_general3A_83 : vector<1x100xf32> to vector<8x100xf32>
    %add3A_86 = arith.addf %add3A_85, %squeeze3A_84 : vector<8x100xf32>
    %reduce_max3A_87 = arith.constant dense<0xFF800000> : vector<8xf32>
    %reduce_max3A_88 = vector.multi_reduction <maximumf>, %add3A_86, %reduce_max3A_87 [1] : vector<8x100xf32> to vector<8xf32>
    %broadcast_in_dim3A_89 = vector.shape_cast %reduce_max3A_88 : vector<8xf32> to vector<8x1xf32>
    %sub3A_90 = vector.broadcast %broadcast_in_dim3A_89 : vector<8x1xf32> to vector<8x100xf32>
    %sub3A_91 = arith.subf %add3A_86, %sub3A_90 : vector<8x100xf32>
    %exp3A_92 = math.exp %sub3A_91 : vector<8x100xf32>
    %reduce_sum3A_93 = arith.constant dense<0.000000e+00> : vector<8xf32>
    %reduce_sum3A_94 = vector.multi_reduction <add>, %exp3A_92, %reduce_sum3A_93 [1] : vector<8x100xf32> to vector<8xf32>
    %broadcast_in_dim3A_95 = vector.shape_cast %reduce_sum3A_94 : vector<8xf32> to vector<8x1xf32>
    %log3A_96 = math.log %broadcast_in_dim3A_95 : vector<8x1xf32>
    %add3A_97 = arith.addf %log3A_96, %broadcast_in_dim3A_89 : vector<8x1xf32>
    %sub3A_98 = vector.broadcast %add3A_97 : vector<8x1xf32> to vector<8x100xf32>
    %sub3A_99 = arith.subf %add3A_86, %sub3A_98 : vector<8x100xf32>
    %sub3A_100 = arith.constant 5.29831743 : f32
    %sub3A_101 = vector.broadcast %sub3A_100 : f32 to vector<8x100xf32>
    %sub3A_102 = arith.subf %sub3A_99, %sub3A_101 : vector<8x100xf32>
    %swap3A_103 = arith.constant 1 : index
    %swap3A_104 = arith.constant 0 : index
    %swap3A_105 = arith.constant 0 : index
    %swap3A_106 = vector.load %arg34[%swap3A_103, %swap3A_104, %swap3A_105] : memref<16x8x128xf32, #tpu.memory_space<vmem>>, vector<1x8x100xf32>
    %swap3A_107 = vector.shape_cast %swap3A_106 : vector<1x8x100xf32> to vector<8x100xf32>
    %swap3A_108 = vector.shape_cast %sub3A_102 : vector<8x100xf32> to vector<1x8x100xf32>
    tpu.vector_store %arg34[%swap3A_103, %swap3A_104, %swap3A_105], %swap3A_108 {strides = array<i32>} : memref<16x8x128xf32, #tpu.memory_space<vmem>>, vector<1x8x100xf32>,
    %get3A_109 = arith.constant 0 : index
    %get3A_110 = arith.constant 0 : index
    %get3A_111 = vector.load %arg4[%get3A_109, %get3A_110] : memref<100x128xf32, #tpu.memory_space<vmem>>, vector<100x128xf32>
    %get3A_112 = arith.constant 0 : index
    %get3A_113 = arith.constant 0 : index
    %get3A_114 = arith.constant 0 : index
    %get3A_115 = vector.load %arg20[%get3A_112, %get3A_113, %get3A_114] : memref<1x8x100xf32, #tpu.memory_space<vmem>>, vector<1x8x100xf32>
    %mul3A_116 = arith.constant 16 : i32
    %mul3A_117 = arith.muli %mul3A_116, %arg0 : i32
    %add3A_118 = arith.constant 2 : i32
    %add3A_119 = arith.addi %mul3A_117, %add3A_118 : i32
    %get3A_120 = arith.index_cast %add3A_119 : i32 to index
    %get3A_121 = memref.load %arg1[%get3A_120] : memref<1024xi32, #tpu.memory_space<smem>>
    %jit3A_122 = arith.constant 128 : i32
    %eq3A_123 = arith.constant 0 : i32
    %eq3A_124 = arith.cmpi eq, %jit3A_122, %eq3A_123 : i32
    %jit3A_125 = arith.constant 1 : i32
    %select_n3A_126 = arith.select %eq3A_124, %jit3A_125, %jit3A_122 : i32
    %rem3A_127 = arith.remsi %get3A_121, %select_n3A_126 : i32
    %ne3A_128 = arith.constant 0 : i32
    %ne3A_129 = arith.cmpi ne, %rem3A_127, %ne3A_128 : i32
    %lt3A_130 = arith.constant 0 : i32
    %lt3A_131 = arith.cmpi slt, %rem3A_127, %lt3A_130 : i32
    %lt3A_132 = arith.constant 0 : i32
    %lt3A_133 = arith.cmpi slt, %select_n3A_126, %lt3A_132 : i32
    %ne3A_134 = arith.xori %lt3A_131, %lt3A_133 : i1
    %and3A_135 = arith.andi %ne3A_134, %ne3A_129 : i1
    %add3A_136 = arith.addi %rem3A_127, %select_n3A_126 : i32
    %select_n3A_137 = arith.select %and3A_135, %add3A_136, %rem3A_127 : i32
    %eq3A_138 = vector.broadcast %select_n3A_137 : i32 to vector<1x128xi32>
    %eq3A_139 = arith.cmpi eq, %iota3A, %eq3A_138 : vector<1x128xi32>
    %jit3A_140 = arith.constant 0.000000e+00 : f32
    %broadcast_in_dim3A_141 = vector.shape_cast %eq3A_139 : vector<1x128xi1> to vector<1x128xi1>
    %broadcast_in_dim3A_142 = vector.broadcast %broadcast_in_dim3A_141 : vector<1x128xi1> to vector<100x128xi1>
    %broadcast_in_dim3A_143 = vector.broadcast %jit3A_140 : f32 to vector<100x128xf32>
    %select_n3A_144 = arith.select %broadcast_in_dim3A_142, %get3A_111, %broadcast_in_dim3A_143 : vector<100x128xi1>, vector<100x128xf32>
    %dot_general3A_145 = arith.constant dense<0.000000e+00> : vector<1x100xf32>
    %dot_general3A_146 = tpu.matmul %broadcast_in_dim3A_0, %select_n3A_144, %dot_general3A_145 {dimension_numbers = #tpu.dot_dimension_numbers<[1], [1], [0], [0], [0, 0, 1, 0], [], []>, precision = #tpu.contract_precision<fp32>, transpose_lhs_hint = false} : vector<1x128xf32>, vector<100x128xf32>, vector<1x100xf32> -> vector<1x100xf32>
    %squeeze3A_147 = vector.shape_cast %get3A_115 : vector<1x8x100xf32> to vector<8x100xf32>
    %add3A_148 = vector.broadcast %dot_general3A_146 : vector<1x100xf32> to vector<8x100xf32>
    %add3A_149 = arith.addf %add3A_148, %squeeze3A_147 : vector<8x100xf32>
    %reduce_max3A_150 = arith.constant dense<0xFF800000> : vector<8xf32>
    %reduce_max3A_151 = vector.multi_reduction <maximumf>, %add3A_149, %reduce_max3A_150 [1] : vector<8x100xf32> to vector<8xf32>
    %broadcast_in_dim3A_152 = vector.shape_cast %reduce_max3A_151 : vector<8xf32> to vector<8x1xf32>
    %sub3A_153 = vector.broadcast %broadcast_in_dim3A_152 : vector<8x1xf32> to vector<8x100xf32>
    %sub3A_154 = arith.subf %add3A_149, %sub3A_153 : vector<8x100xf32>
    %exp3A_155 = math.exp %sub3A_154 : vector<8x100xf32>
    %reduce_sum3A_156 = arith.constant dense<0.000000e+00> : vector<8xf32>
    %reduce_sum3A_157 = vector.multi_reduction <add>, %exp3A_155, %reduce_sum3A_156 [1] : vector<8x100xf32> to vector<8xf32>
    %broadcast_in_dim3A_158 = vector.shape_cast %reduce_sum3A_157 : vector<8xf32> to vector<8x1xf32>
    %log3A_159 = math.log %broadcast_in_dim3A_158 : vector<8x1xf32>
    %add3A_160 = arith.addf %log3A_159, %broadcast_in_dim3A_152 : vector<8x1xf32>
    %sub3A_161 = vector.broadcast %add3A_160 : vector<8x1xf32> to vector<8x100xf32>
    %sub3A_162 = arith.subf %add3A_149, %sub3A_161 : vector<8x100xf32>
    %sub3A_163 = arith.constant 5.29831743 : f32
    %sub3A_164 = vector.broadcast %sub3A_163 : f32 to vector<8x100xf32>
    %sub3A_165 = arith.subf %sub3A_162, %sub3A_164 : vector<8x100xf32>
    %swap3A_166 = arith.constant 2 : index
    %swap3A_167 = arith.constant 0 : index
    %swap3A_168 = arith.constant 0 : index
    %swap3A_169 = vector.load %arg34[%swap3A_166, %swap3A_167, %swap3A_168] : memref<16x8x128xf32, #tpu.memory_space<vmem>>, vector<1x8x100xf32>
    %swap3A_170 = vector.shape_cast %swap3A_169 : vector<1x8x100xf32> to vector<8x100xf32>
    %swap3A_171 = vector.shape_cast %sub3A_165 : vector<8x100xf32> to vector<1x8x100xf32>
    tpu.vector_store %arg34[%swap3A_166, %swap3A_167, %swap3A_168], %swap3A_171 {strides = array<i32>} : memref<16x8x128xf32, #tpu.memory_space<vmem>>, vector<1x8x100xf32>,
    %get3A_172 = arith.constant 0 : index
    %get3A_173 = arith.constant 0 : index
    %get3A_174 = vector.load %arg5[%get3A_172, %get3A_173] : memref<100x128xf32, #tpu.memory_space<vmem>>, vector<100x128xf32>
    %get3A_175 = arith.constant 0 : index
    %get3A_176 = arith.constant 0 : index
    %get3A_177 = arith.constant 0 : index
    %get3A_178 = vector.load %arg21[%get3A_175, %get3A_176, %get3A_177] : memref<1x8x100xf32, #tpu.memory_space<vmem>>, vector<1x8x100xf32>
    %mul3A_179 = arith.constant 16 : i32
    %mul3A_180 = arith.muli %mul3A_179, %arg0 : i32
    %add3A_181 = arith.constant 3 : i32
    %add3A_182 = arith.addi %mul3A_180, %add3A_181 : i32
    %get3A_183 = arith.index_cast %add3A_182 : i32 to index
    %get3A_184 = memref.load %arg1[%get3A_183] : memref<1024xi32, #tpu.memory_space<smem>>
    %jit3A_185 = arith.constant 128 : i32
    %eq3A_186 = arith.constant 0 : i32
    %eq3A_187 = arith.cmpi eq, %jit3A_185, %eq3A_186 : i32
    %jit3A_188 = arith.constant 1 : i32
    %select_n3A_189 = arith.select %eq3A_187, %jit3A_188, %jit3A_185 : i32
    %rem3A_190 = arith.remsi %get3A_184, %select_n3A_189 : i32
    %ne3A_191 = arith.constant 0 : i32
    %ne3A_192 = arith.cmpi ne, %rem3A_190, %ne3A_191 : i32
    %lt3A_193 = arith.constant 0 : i32
    %lt3A_194 = arith.cmpi slt, %rem3A_190, %lt3A_193 : i32
    %lt3A_195 = arith.constant 0 : i32
    %lt3A_196 = arith.cmpi slt, %select_n3A_189, %lt3A_195 : i32
    %ne3A_197 = arith.xori %lt3A_194, %lt3A_196 : i1
    %and3A_198 = arith.andi %ne3A_197, %ne3A_192 : i1
    %add3A_199 = arith.addi %rem3A_190, %select_n3A_189 : i32
    %select_n3A_200 = arith.select %and3A_198, %add3A_199, %rem3A_190 : i32
    %eq3A_201 = vector.broadcast %select_n3A_200 : i32 to vector<1x128xi32>
    %eq3A_202 = arith.cmpi eq, %iota3A, %eq3A_201 : vector<1x128xi32>
    %jit3A_203 = arith.constant 0.000000e+00 : f32
    %broadcast_in_dim3A_204 = vector.shape_cast %eq3A_202 : vector<1x128xi1> to vector<1x128xi1>
    %broadcast_in_dim3A_205 = vector.broadcast %broadcast_in_dim3A_204 : vector<1x128xi1> to vector<100x128xi1>
    %broadcast_in_dim3A_206 = vector.broadcast %jit3A_203 : f32 to vector<100x128xf32>
    %select_n3A_207 = arith.select %broadcast_in_dim3A_205, %get3A_174, %broadcast_in_dim3A_206 : vector<100x128xi1>, vector<100x128xf32>
    %dot_general3A_208 = arith.constant dense<0.000000e+00> : vector<1x100xf32>
    %dot_general3A_209 = tpu.matmul %broadcast_in_dim3A_0, %select_n3A_207, %dot_general3A_208 {dimension_numbers = #tpu.dot_dimension_numbers<[1], [1], [0], [0], [0, 0, 1, 0], [], []>, precision = #tpu.contract_precision<fp32>, transpose_lhs_hint = false} : vector<1x128xf32>, vector<100x128xf32>, vector<1x100xf32> -> vector<1x100xf32>
    %squeeze3A_210 = vector.shape_cast %get3A_178 : vector<1x8x100xf32> to vector<8x100xf32>
    %add3A_211 = vector.broadcast %dot_general3A_209 : vector<1x100xf32> to vector<8x100xf32>
    %add3A_212 = arith.addf %add3A_211, %squeeze3A_210 : vector<8x100xf32>
    %reduce_max3A_213 = arith.constant dense<0xFF800000> : vector<8xf32>
    %reduce_max3A_214 = vector.multi_reduction <maximumf>, %add3A_212, %reduce_max3A_213 [1] : vector<8x100xf32> to vector<8xf32>
    %broadcast_in_dim3A_215 = vector.shape_cast %reduce_max3A_214 : vector<8xf32> to vector<8x1xf32>
    %sub3A_216 = vector.broadcast %broadcast_in_dim3A_215 : vector<8x1xf32> to vector<8x100xf32>
    %sub3A_217 = arith.subf %add3A_212, %sub3A_216 : vector<8x100xf32>
    %exp3A_218 = math.exp %sub3A_217 : vector<8x100xf32>
    %reduce_sum3A_219 = arith.constant dense<0.000000e+00> : vector<8xf32>
    %reduce_sum3A_220 = vector.multi_reduction <add>, %exp3A_218, %reduce_sum3A_219 [1] : vector<8x100xf32> to vector<8xf32>
    %broadcast_in_dim3A_221 = vector.shape_cast %reduce_sum3A_220 : vector<8xf32> to vector<8x1xf32>
    %log3A_222 = math.log %broadcast_in_dim3A_221 : vector<8x1xf32>
    %add3A_223 = arith.addf %log3A_222, %broadcast_in_dim3A_215 : vector<8x1xf32>
    %sub3A_224 = vector.broadcast %add3A_223 : vector<8x1xf32> to vector<8x100xf32>
    %sub3A_225 = arith.subf %add3A_212, %sub3A_224 : vector<8x100xf32>
    %sub3A_226 = arith.constant 5.29831743 : f32
    %sub3A_227 = vector.broadcast %sub3A_226 : f32 to vector<8x100xf32>
    %sub3A_228 = arith.subf %sub3A_225, %sub3A_227 : vector<8x100xf32>
    %swap3A_229 = arith.constant 3 : index
    %swap3A_230 = arith.constant 0 : index
    %swap3A_231 = arith.constant 0 : index
    %swap3A_232 = vector.load %arg34[%swap3A_229, %swap3A_230, %swap3A_231] : memref<16x8x128xf32, #tpu.memory_space<vmem>>, vector<1x8x100xf32>
    %swap3A_233 = vector.shape_cast %swap3A_232 : vector<1x8x100xf32> to vector<8x100xf32>
    %swap3A_234 = vector.shape_cast %sub3A_228 : vector<8x100xf32> to vector<1x8x100xf32>
    tpu.vector_store %arg34[%swap3A_229, %swap3A_230, %swap3A_231], %swap3A_234 {strides = array<i32>} : memref<16x8x128xf32, #tpu.memory_space<vmem>>, vector<1x8x100xf32>,
    %get3A_235 = arith.constant 0 : index
    %get3A_236 = arith.constant 0 : index
    %get3A_237 = vector.load %arg6[%get3A_235, %get3A_236] : memref<100x128xf32, #tpu.memory_space<vmem>>, vector<100x128xf32>
    %get3A_238 = arith.constant 0 : index
    %get3A_239 = arith.constant 0 : index
    %get3A_240 = arith.constant 0 : index
    %get3A_241 = vector.load %arg22[%get3A_238, %get3A_239, %get3A_240] : memref<1x8x100xf32, #tpu.memory_space<vmem>>, vector<1x8x100xf32>
    %mul3A_242 = arith.constant 16 : i32
    %mul3A_243 = arith.muli %mul3A_242, %arg0 : i32
    %add3A_244 = arith.constant 4 : i32
    %add3A_245 = arith.addi %mul3A_243, %add3A_244 : i32
    %get3A_246 = arith.index_cast %add3A_245 : i32 to index
    %get3A_247 = memref.load %arg1[%get3A_246] : memref<1024xi32, #tpu.memory_space<smem>>
    %jit3A_248 = arith.constant 128 : i32
    %eq3A_249 = arith.constant 0 : i32
    %eq3A_250 = arith.cmpi eq, %jit3A_248, %eq3A_249 : i32
    %jit3A_251 = arith.constant 1 : i32
    %select_n3A_252 = arith.select %eq3A_250, %jit3A_251, %jit3A_248 : i32
    %rem3A_253 = arith.remsi %get3A_247, %select_n3A_252 : i32
    %ne3A_254 = arith.constant 0 : i32
    %ne3A_255 = arith.cmpi ne, %rem3A_253, %ne3A_254 : i32
    %lt3A_256 = arith.constant 0 : i32
    %lt3A_257 = arith.cmpi slt, %rem3A_253, %lt3A_256 : i32
    %lt3A_258 = arith.constant 0 : i32
    %lt3A_259 = arith.cmpi slt, %select_n3A_252, %lt3A_258 : i32
    %ne3A_260 = arith.xori %lt3A_257, %lt3A_259 : i1
    %and3A_261 = arith.andi %ne3A_260, %ne3A_255 : i1
    %add3A_262 = arith.addi %rem3A_253, %select_n3A_252 : i32
    %select_n3A_263 = arith.select %and3A_261, %add3A_262, %rem3A_253 : i32
    %eq3A_264 = vector.broadcast %select_n3A_263 : i32 to vector<1x128xi32>
    %eq3A_265 = arith.cmpi eq, %iota3A, %eq3A_264 : vector<1x128xi32>
    %jit3A_266 = arith.constant 0.000000e+00 : f32
    %broadcast_in_dim3A_267 = vector.shape_cast %eq3A_265 : vector<1x128xi1> to vector<1x128xi1>
    %broadcast_in_dim3A_268 = vector.broadcast %broadcast_in_dim3A_267 : vector<1x128xi1> to vector<100x128xi1>
    %broadcast_in_dim3A_269 = vector.broadcast %jit3A_266 : f32 to vector<100x128xf32>
    %select_n3A_270 = arith.select %broadcast_in_dim3A_268, %get3A_237, %broadcast_in_dim3A_269 : vector<100x128xi1>, vector<100x128xf32>
    %dot_general3A_271 = arith.constant dense<0.000000e+00> : vector<1x100xf32>
    %dot_general3A_272 = tpu.matmul %broadcast_in_dim3A_0, %select_n3A_270, %dot_general3A_271 {dimension_numbers = #tpu.dot_dimension_numbers<[1], [1], [0], [0], [0, 0, 1, 0], [], []>, precision = #tpu.contract_precision<fp32>, transpose_lhs_hint = false} : vector<1x128xf32>, vector<100x128xf32>, vector<1x100xf32> -> vector<1x100xf32>
    %squeeze3A_273 = vector.shape_cast %get3A_241 : vector<1x8x100xf32> to vector<8x100xf32>
    %add3A_274 = vector.broadcast %dot_general3A_272 : vector<1x100xf32> to vector<8x100xf32>
    %add3A_275 = arith.addf %add3A_274, %squeeze3A_273 : vector<8x100xf32>
    %reduce_max3A_276 = arith.constant dense<0xFF800000> : vector<8xf32>
    %reduce_max3A_277 = vector.multi_reduction <maximumf>, %add3A_275, %reduce_max3A_276 [1] : vector<8x100xf32> to vector<8xf32>
    %broadcast_in_dim3A_278 = vector.shape_cast %reduce_max3A_277 : vector<8xf32> to vector<8x1xf32>
    %sub3A_279 = vector.broadcast %broadcast_in_dim3A_278 : vector<8x1xf32> to vector<8x100xf32>
    %sub3A_280 = arith.subf %add3A_275, %sub3A_279 : vector<8x100xf32>
    %exp3A_281 = math.exp %sub3A_280 : vector<8x100xf32>
    %reduce_sum3A_282 = arith.constant dense<0.000000e+00> : vector<8xf32>
    %reduce_sum3A_283 = vector.multi_reduction <add>, %exp3A_281, %reduce_sum3A_282 [1] : vector<8x100xf32> to vector<8xf32>
    %broadcast_in_dim3A_284 = vector.shape_cast %reduce_sum3A_283 : vector<8xf32> to vector<8x1xf32>
    %log3A_285 = math.log %broadcast_in_dim3A_284 : vector<8x1xf32>
    %add3A_286 = arith.addf %log3A_285, %broadcast_in_dim3A_278 : vector<8x1xf32>
    %sub3A_287 = vector.broadcast %add3A_286 : vector<8x1xf32> to vector<8x100xf32>
    %sub3A_288 = arith.subf %add3A_275, %sub3A_287 : vector<8x100xf32>
    %sub3A_289 = arith.constant 5.29831743 : f32
    %sub3A_290 = vector.broadcast %sub3A_289 : f32 to vector<8x100xf32>
    %sub3A_291 = arith.subf %sub3A_288, %sub3A_290 : vector<8x100xf32>
    %swap3A_292 = arith.constant 4 : index
    %swap3A_293 = arith.constant 0 : index
    %swap3A_294 = arith.constant 0 : index
    %swap3A_295 = vector.load %arg34[%swap3A_292, %swap3A_293, %swap3A_294] : memref<16x8x128xf32, #tpu.memory_space<vmem>>, vector<1x8x100xf32>
    %swap3A_296 = vector.shape_cast %swap3A_295 : vector<1x8x100xf32> to vector<8x100xf32>
    %swap3A_297 = vector.shape_cast %sub3A_291 : vector<8x100xf32> to vector<1x8x100xf32>
    tpu.vector_store %arg34[%swap3A_292, %swap3A_293, %swap3A_294], %swap3A_297 {strides = array<i32>} : memref<16x8x128xf32, #tpu.memory_space<vmem>>, vector<1x8x100xf32>,
    %get3A_298 = arith.constant 0 : index
    %get3A_299 = arith.constant 0 : index
    %get3A_300 = vector.load %arg7[%get3A_298, %get3A_299] : memref<100x128xf32, #tpu.memory_space<vmem>>, vector<100x128xf32>
    %get3A_301 = arith.constant 0 : index
    %get3A_302 = arith.constant 0 : index
    %get3A_303 = arith.constant 0 : index
    %get3A_304 = vector.load %arg23[%get3A_301, %get3A_302, %get3A_303] : memref<1x8x100xf32, #tpu.memory_space<vmem>>, vector<1x8x100xf32>
    %mul3A_305 = arith.constant 16 : i32
    %mul3A_306 = arith.muli %mul3A_305, %arg0 : i32
    %add3A_307 = arith.constant 5 : i32
    %add3A_308 = arith.addi %mul3A_306, %add3A_307 : i32
    %get3A_309 = arith.index_cast %add3A_308 : i32 to index
    %get3A_310 = memref.load %arg1[%get3A_309] : memref<1024xi32, #tpu.memory_space<smem>>
    %jit3A_311 = arith.constant 128 : i32
    %eq3A_312 = arith.constant 0 : i32
    %eq3A_313 = arith.cmpi eq, %jit3A_311, %eq3A_312 : i32
    %jit3A_314 = arith.constant 1 : i32
    %select_n3A_315 = arith.select %eq3A_313, %jit3A_314, %jit3A_311 : i32
    %rem3A_316 = arith.remsi %get3A_310, %select_n3A_315 : i32
    %ne3A_317 = arith.constant 0 : i32
    %ne3A_318 = arith.cmpi ne, %rem3A_316, %ne3A_317 : i32
    %lt3A_319 = arith.constant 0 : i32
    %lt3A_320 = arith.cmpi slt, %rem3A_316, %lt3A_319 : i32
    %lt3A_321 = arith.constant 0 : i32
    %lt3A_322 = arith.cmpi slt, %select_n3A_315, %lt3A_321 : i32
    %ne3A_323 = arith.xori %lt3A_320, %lt3A_322 : i1
    %and3A_324 = arith.andi %ne3A_323, %ne3A_318 : i1
    %add3A_325 = arith.addi %rem3A_316, %select_n3A_315 : i32
    %select_n3A_326 = arith.select %and3A_324, %add3A_325, %rem3A_316 : i32
    %eq3A_327 = vector.broadcast %select_n3A_326 : i32 to vector<1x128xi32>
    %eq3A_328 = arith.cmpi eq, %iota3A, %eq3A_327 : vector<1x128xi32>
    %jit3A_329 = arith.constant 0.000000e+00 : f32
    %broadcast_in_dim3A_330 = vector.shape_cast %eq3A_328 : vector<1x128xi1> to vector<1x128xi1>
    %broadcast_in_dim3A_331 = vector.broadcast %broadcast_in_dim3A_330 : vector<1x128xi1> to vector<100x128xi1>
    %broadcast_in_dim3A_332 = vector.broadcast %jit3A_329 : f32 to vector<100x128xf32>
    %select_n3A_333 = arith.select %broadcast_in_dim3A_331, %get3A_300, %broadcast_in_dim3A_332 : vector<100x128xi1>, vector<100x128xf32>
    %dot_general3A_334 = arith.constant dense<0.000000e+00> : vector<1x100xf32>
    %dot_general3A_335 = tpu.matmul %broadcast_in_dim3A_0, %select_n3A_333, %dot_general3A_334 {dimension_numbers = #tpu.dot_dimension_numbers<[1], [1], [0], [0], [0, 0, 1, 0], [], []>, precision = #tpu.contract_precision<fp32>, transpose_lhs_hint = false} : vector<1x128xf32>, vector<100x128xf32>, vector<1x100xf32> -> vector<1x100xf32>
    %squeeze3A_336 = vector.shape_cast %get3A_304 : vector<1x8x100xf32> to vector<8x100xf32>
    %add3A_337 = vector.broadcast %dot_general3A_335 : vector<1x100xf32> to vector<8x100xf32>
    %add3A_338 = arith.addf %add3A_337, %squeeze3A_336 : vector<8x100xf32>
    %reduce_max3A_339 = arith.constant dense<0xFF800000> : vector<8xf32>
    %reduce_max3A_340 = vector.multi_reduction <maximumf>, %add3A_338, %reduce_max3A_339 [1] : vector<8x100xf32> to vector<8xf32>
    %broadcast_in_dim3A_341 = vector.shape_cast %reduce_max3A_340 : vector<8xf32> to vector<8x1xf32>
    %sub3A_342 = vector.broadcast %broadcast_in_dim3A_341 : vector<8x1xf32> to vector<8x100xf32>
    %sub3A_343 = arith.subf %add3A_338, %sub3A_342 : vector<8x100xf32>
    %exp3A_344 = math.exp %sub3A_343 : vector<8x100xf32>
    %reduce_sum3A_345 = arith.constant dense<0.000000e+00> : vector<8xf32>
    %reduce_sum3A_346 = vector.multi_reduction <add>, %exp3A_344, %reduce_sum3A_345 [1] : vector<8x100xf32> to vector<8xf32>
    %broadcast_in_dim3A_347 = vector.shape_cast %reduce_sum3A_346 : vector<8xf32> to vector<8x1xf32>
    %log3A_348 = math.log %broadcast_in_dim3A_347 : vector<8x1xf32>
    %add3A_349 = arith.addf %log3A_348, %broadcast_in_dim3A_341 : vector<8x1xf32>
    %sub3A_350 = vector.broadcast %add3A_349 : vector<8x1xf32> to vector<8x100xf32>
    %sub3A_351 = arith.subf %add3A_338, %sub3A_350 : vector<8x100xf32>
    %sub3A_352 = arith.constant 5.29831743 : f32
    %sub3A_353 = vector.broadcast %sub3A_352 : f32 to vector<8x100xf32>
    %sub3A_354 = arith.subf %sub3A_351, %sub3A_353 : vector<8x100xf32>
    %swap3A_355 = arith.constant 5 : index
    %swap3A_356 = arith.constant 0 : index
    %swap3A_357 = arith.constant 0 : index
    %swap3A_358 = vector.load %arg34[%swap3A_355, %swap3A_356, %swap3A_357] : memref<16x8x128xf32, #tpu.memory_space<vmem>>, vector<1x8x100xf32>
    %swap3A_359 = vector.shape_cast %swap3A_358 : vector<1x8x100xf32> to vector<8x100xf32>
    %swap3A_360 = vector.shape_cast %sub3A_354 : vector<8x100xf32> to vector<1x8x100xf32>
    tpu.vector_store %arg34[%swap3A_355, %swap3A_356, %swap3A_357], %swap3A_360 {strides = array<i32>} : memref<16x8x128xf32, #tpu.memory_space<vmem>>, vector<1x8x100xf32>,
    %get3A_361 = arith.constant 0 : index
    %get3A_362 = arith.constant 0 : index
    %get3A_363 = vector.load %arg8[%get3A_361, %get3A_362] : memref<100x128xf32, #tpu.memory_space<vmem>>, vector<100x128xf32>
    %get3A_364 = arith.constant 0 : index
    %get3A_365 = arith.constant 0 : index
    %get3A_366 = arith.constant 0 : index
    %get3A_367 = vector.load %arg24[%get3A_364, %get3A_365, %get3A_366] : memref<1x8x100xf32, #tpu.memory_space<vmem>>, vector<1x8x100xf32>
    %mul3A_368 = arith.constant 16 : i32
    %mul3A_369 = arith.muli %mul3A_368, %arg0 : i32
    %add3A_370 = arith.constant 6 : i32
    %add3A_371 = arith.addi %mul3A_369, %add3A_370 : i32
    %get3A_372 = arith.index_cast %add3A_371 : i32 to index
    %get3A_373 = memref.load %arg1[%get3A_372] : memref<1024xi32, #tpu.memory_space<smem>>
    %jit3A_374 = arith.constant 128 : i32
    %eq3A_375 = arith.constant 0 : i32
    %eq3A_376 = arith.cmpi eq, %jit3A_374, %eq3A_375 : i32
    %jit3A_377 = arith.constant 1 : i32
    %select_n3A_378 = arith.select %eq3A_376, %jit3A_377, %jit3A_374 : i32
    %rem3A_379 = arith.remsi %get3A_373, %select_n3A_378 : i32
    %ne3A_380 = arith.constant 0 : i32
    %ne3A_381 = arith.cmpi ne, %rem3A_379, %ne3A_380 : i32
    %lt3A_382 = arith.constant 0 : i32
    %lt3A_383 = arith.cmpi slt, %rem3A_379, %lt3A_382 : i32
    %lt3A_384 = arith.constant 0 : i32
    %lt3A_385 = arith.cmpi slt, %select_n3A_378, %lt3A_384 : i32
    %ne3A_386 = arith.xori %lt3A_383, %lt3A_385 : i1
    %and3A_387 = arith.andi %ne3A_386, %ne3A_381 : i1
    %add3A_388 = arith.addi %rem3A_379, %select_n3A_378 : i32
    %select_n3A_389 = arith.select %and3A_387, %add3A_388, %rem3A_379 : i32
    %eq3A_390 = vector.broadcast %select_n3A_389 : i32 to vector<1x128xi32>
    %eq3A_391 = arith.cmpi eq, %iota3A, %eq3A_390 : vector<1x128xi32>
    %jit3A_392 = arith.constant 0.000000e+00 : f32
    %broadcast_in_dim3A_393 = vector.shape_cast %eq3A_391 : vector<1x128xi1> to vector<1x128xi1>
    %broadcast_in_dim3A_394 = vector.broadcast %broadcast_in_dim3A_393 : vector<1x128xi1> to vector<100x128xi1>
    %broadcast_in_dim3A_395 = vector.broadcast %jit3A_392 : f32 to vector<100x128xf32>
    %select_n3A_396 = arith.select %broadcast_in_dim3A_394, %get3A_363, %broadcast_in_dim3A_395 : vector<100x128xi1>, vector<100x128xf32>
    %dot_general3A_397 = arith.constant dense<0.000000e+00> : vector<1x100xf32>
    %dot_general3A_398 = tpu.matmul %broadcast_in_dim3A_0, %select_n3A_396, %dot_general3A_397 {dimension_numbers = #tpu.dot_dimension_numbers<[1], [1], [0], [0], [0, 0, 1, 0], [], []>, precision = #tpu.contract_precision<fp32>, transpose_lhs_hint = false} : vector<1x128xf32>, vector<100x128xf32>, vector<1x100xf32> -> vector<1x100xf32>
    %squeeze3A_399 = vector.shape_cast %get3A_367 : vector<1x8x100xf32> to vector<8x100xf32>
    %add3A_400 = vector.broadcast %dot_general3A_398 : vector<1x100xf32> to vector<8x100xf32>
    %add3A_401 = arith.addf %add3A_400, %squeeze3A_399 : vector<8x100xf32>
    %reduce_max3A_402 = arith.constant dense<0xFF800000> : vector<8xf32>
    %reduce_max3A_403 = vector.multi_reduction <maximumf>, %add3A_401, %reduce_max3A_402 [1] : vector<8x100xf32> to vector<8xf32>
    %broadcast_in_dim3A_404 = vector.shape_cast %reduce_max3A_403 : vector<8xf32> to vector<8x1xf32>
    %sub3A_405 = vector.broadcast %broadcast_in_dim3A_404 : vector<8x1xf32> to vector<8x100xf32>
    %sub3A_406 = arith.subf %add3A_401, %sub3A_405 : vector<8x100xf32>
    %exp3A_407 = math.exp %sub3A_406 : vector<8x100xf32>
    %reduce_sum3A_408 = arith.constant dense<0.000000e+00> : vector<8xf32>
    %reduce_sum3A_409 = vector.multi_reduction <add>, %exp3A_407, %reduce_sum3A_408 [1] : vector<8x100xf32> to vector<8xf32>
    %broadcast_in_dim3A_410 = vector.shape_cast %reduce_sum3A_409 : vector<8xf32> to vector<8x1xf32>
    %log3A_411 = math.log %broadcast_in_dim3A_410 : vector<8x1xf32>
    %add3A_412 = arith.addf %log3A_411, %broadcast_in_dim3A_404 : vector<8x1xf32>
    %sub3A_413 = vector.broadcast %add3A_412 : vector<8x1xf32> to vector<8x100xf32>
    %sub3A_414 = arith.subf %add3A_401, %sub3A_413 : vector<8x100xf32>
    %sub3A_415 = arith.constant 5.29831743 : f32
    %sub3A_416 = vector.broadcast %sub3A_415 : f32 to vector<8x100xf32>
    %sub3A_417 = arith.subf %sub3A_414, %sub3A_416 : vector<8x100xf32>
    %swap3A_418 = arith.constant 6 : index
    %swap3A_419 = arith.constant 0 : index
    %swap3A_420 = arith.constant 0 : index
    %swap3A_421 = vector.load %arg34[%swap3A_418, %swap3A_419, %swap3A_420] : memref<16x8x128xf32, #tpu.memory_space<vmem>>, vector<1x8x100xf32>
    %swap3A_422 = vector.shape_cast %swap3A_421 : vector<1x8x100xf32> to vector<8x100xf32>
    %swap3A_423 = vector.shape_cast %sub3A_417 : vector<8x100xf32> to vector<1x8x100xf32>
    tpu.vector_store %arg34[%swap3A_418, %swap3A_419, %swap3A_420], %swap3A_423 {strides = array<i32>} : memref<16x8x128xf32, #tpu.memory_space<vmem>>, vector<1x8x100xf32>,
    %get3A_424 = arith.constant 0 : index
    %get3A_425 = arith.constant 0 : index
    %get3A_426 = vector.load %arg9[%get3A_424, %get3A_425] : memref<100x128xf32, #tpu.memory_space<vmem>>, vector<100x128xf32>
    %get3A_427 = arith.constant 0 : index
    %get3A_428 = arith.constant 0 : index
    %get3A_429 = arith.constant 0 : index
    %get3A_430 = vector.load %arg25[%get3A_427, %get3A_428, %get3A_429] : memref<1x8x100xf32, #tpu.memory_space<vmem>>, vector<1x8x100xf32>
    %mul3A_431 = arith.constant 16 : i32
    %mul3A_432 = arith.muli %mul3A_431, %arg0 : i32
    %add3A_433 = arith.constant 7 : i32
    %add3A_434 = arith.addi %mul3A_432, %add3A_433 : i32
    %get3A_435 = arith.index_cast %add3A_434 : i32 to index
    %get3A_436 = memref.load %arg1[%get3A_435] : memref<1024xi32, #tpu.memory_space<smem>>
    %jit3A_437 = arith.constant 128 : i32
    %eq3A_438 = arith.constant 0 : i32
    %eq3A_439 = arith.cmpi eq, %jit3A_437, %eq3A_438 : i32
    %jit3A_440 = arith.constant 1 : i32
    %select_n3A_441 = arith.select %eq3A_439, %jit3A_440, %jit3A_437 : i32
    %rem3A_442 = arith.remsi %get3A_436, %select_n3A_441 : i32
    %ne3A_443 = arith.constant 0 : i32
    %ne3A_444 = arith.cmpi ne, %rem3A_442, %ne3A_443 : i32
    %lt3A_445 = arith.constant 0 : i32
    %lt3A_446 = arith.cmpi slt, %rem3A_442, %lt3A_445 : i32
    %lt3A_447 = arith.constant 0 : i32
    %lt3A_448 = arith.cmpi slt, %select_n3A_441, %lt3A_447 : i32
    %ne3A_449 = arith.xori %lt3A_446, %lt3A_448 : i1
    %and3A_450 = arith.andi %ne3A_449, %ne3A_444 : i1
    %add3A_451 = arith.addi %rem3A_442, %select_n3A_441 : i32
    %select_n3A_452 = arith.select %and3A_450, %add3A_451, %rem3A_442 : i32
    %eq3A_453 = vector.broadcast %select_n3A_452 : i32 to vector<1x128xi32>
    %eq3A_454 = arith.cmpi eq, %iota3A, %eq3A_453 : vector<1x128xi32>
    %jit3A_455 = arith.constant 0.000000e+00 : f32
    %broadcast_in_dim3A_456 = vector.shape_cast %eq3A_454 : vector<1x128xi1> to vector<1x128xi1>
    %broadcast_in_dim3A_457 = vector.broadcast %broadcast_in_dim3A_456 : vector<1x128xi1> to vector<100x128xi1>
    %broadcast_in_dim3A_458 = vector.broadcast %jit3A_455 : f32 to vector<100x128xf32>
    %select_n3A_459 = arith.select %broadcast_in_dim3A_457, %get3A_426, %broadcast_in_dim3A_458 : vector<100x128xi1>, vector<100x128xf32>
    %dot_general3A_460 = arith.constant dense<0.000000e+00> : vector<1x100xf32>
    %dot_general3A_461 = tpu.matmul %broadcast_in_dim3A_0, %select_n3A_459, %dot_general3A_460 {dimension_numbers = #tpu.dot_dimension_numbers<[1], [1], [0], [0], [0, 0, 1, 0], [], []>, precision = #tpu.contract_precision<fp32>, transpose_lhs_hint = false} : vector<1x128xf32>, vector<100x128xf32>, vector<1x100xf32> -> vector<1x100xf32>
    %squeeze3A_462 = vector.shape_cast %get3A_430 : vector<1x8x100xf32> to vector<8x100xf32>
    %add3A_463 = vector.broadcast %dot_general3A_461 : vector<1x100xf32> to vector<8x100xf32>
    %add3A_464 = arith.addf %add3A_463, %squeeze3A_462 : vector<8x100xf32>
    %reduce_max3A_465 = arith.constant dense<0xFF800000> : vector<8xf32>
    %reduce_max3A_466 = vector.multi_reduction <maximumf>, %add3A_464, %reduce_max3A_465 [1] : vector<8x100xf32> to vector<8xf32>
    %broadcast_in_dim3A_467 = vector.shape_cast %reduce_max3A_466 : vector<8xf32> to vector<8x1xf32>
    %sub3A_468 = vector.broadcast %broadcast_in_dim3A_467 : vector<8x1xf32> to vector<8x100xf32>
    %sub3A_469 = arith.subf %add3A_464, %sub3A_468 : vector<8x100xf32>
    %exp3A_470 = math.exp %sub3A_469 : vector<8x100xf32>
    %reduce_sum3A_471 = arith.constant dense<0.000000e+00> : vector<8xf32>
    %reduce_sum3A_472 = vector.multi_reduction <add>, %exp3A_470, %reduce_sum3A_471 [1] : vector<8x100xf32> to vector<8xf32>
    %broadcast_in_dim3A_473 = vector.shape_cast %reduce_sum3A_472 : vector<8xf32> to vector<8x1xf32>
    %log3A_474 = math.log %broadcast_in_dim3A_473 : vector<8x1xf32>
    %add3A_475 = arith.addf %log3A_474, %broadcast_in_dim3A_467 : vector<8x1xf32>
    %sub3A_476 = vector.broadcast %add3A_475 : vector<8x1xf32> to vector<8x100xf32>
    %sub3A_477 = arith.subf %add3A_464, %sub3A_476 : vector<8x100xf32>
    %sub3A_478 = arith.constant 5.29831743 : f32
    %sub3A_479 = vector.broadcast %sub3A_478 : f32 to vector<8x100xf32>
    %sub3A_480 = arith.subf %sub3A_477, %sub3A_479 : vector<8x100xf32>
    %swap3A_481 = arith.constant 7 : index
    %swap3A_482 = arith.constant 0 : index
    %swap3A_483 = arith.constant 0 : index
    %swap3A_484 = vector.load %arg34[%swap3A_481, %swap3A_482, %swap3A_483] : memref<16x8x128xf32, #tpu.memory_space<vmem>>, vector<1x8x100xf32>
    %swap3A_485 = vector.shape_cast %swap3A_484 : vector<1x8x100xf32> to vector<8x100xf32>
    %swap3A_486 = vector.shape_cast %sub3A_480 : vector<8x100xf32> to vector<1x8x100xf32>
    tpu.vector_store %arg34[%swap3A_481, %swap3A_482, %swap3A_483], %swap3A_486 {strides = array<i32>} : memref<16x8x128xf32, #tpu.memory_space<vmem>>, vector<1x8x100xf32>,
    %get3A_487 = arith.constant 0 : index
    %get3A_488 = arith.constant 0 : index
    %get3A_489 = vector.load %arg10[%get3A_487, %get3A_488] : memref<100x128xf32, #tpu.memory_space<vmem>>, vector<100x128xf32>
    %get3A_490 = arith.constant 0 : index
    %get3A_491 = arith.constant 0 : index
    %get3A_492 = arith.constant 0 : index
    %get3A_493 = vector.load %arg26[%get3A_490, %get3A_491, %get3A_492] : memref<1x8x100xf32, #tpu.memory_space<vmem>>, vector<1x8x100xf32>
    %mul3A_494 = arith.constant 16 : i32
    %mul3A_495 = arith.muli %mul3A_494, %arg0 : i32
    %add3A_496 = arith.constant 8 : i32
    %add3A_497 = arith.addi %mul3A_495, %add3A_496 : i32
    %get3A_498 = arith.index_cast %add3A_497 : i32 to index
    %get3A_499 = memref.load %arg1[%get3A_498] : memref<1024xi32, #tpu.memory_space<smem>>
    %jit3A_500 = arith.constant 128 : i32
    %eq3A_501 = arith.constant 0 : i32
    %eq3A_502 = arith.cmpi eq, %jit3A_500, %eq3A_501 : i32
    %jit3A_503 = arith.constant 1 : i32
    %select_n3A_504 = arith.select %eq3A_502, %jit3A_503, %jit3A_500 : i32
    %rem3A_505 = arith.remsi %get3A_499, %select_n3A_504 : i32
    %ne3A_506 = arith.constant 0 : i32
    %ne3A_507 = arith.cmpi ne, %rem3A_505, %ne3A_506 : i32
    %lt3A_508 = arith.constant 0 : i32
    %lt3A_509 = arith.cmpi slt, %rem3A_505, %lt3A_508 : i32
    %lt3A_510 = arith.constant 0 : i32
    %lt3A_511 = arith.cmpi slt, %select_n3A_504, %lt3A_510 : i32
    %ne3A_512 = arith.xori %lt3A_509, %lt3A_511 : i1
    %and3A_513 = arith.andi %ne3A_512, %ne3A_507 : i1
    %add3A_514 = arith.addi %rem3A_505, %select_n3A_504 : i32
    %select_n3A_515 = arith.select %and3A_513, %add3A_514, %rem3A_505 : i32
    %eq3A_516 = vector.broadcast %select_n3A_515 : i32 to vector<1x128xi32>
    %eq3A_517 = arith.cmpi eq, %iota3A, %eq3A_516 : vector<1x128xi32>
    %jit3A_518 = arith.constant 0.000000e+00 : f32
    %broadcast_in_dim3A_519 = vector.shape_cast %eq3A_517 : vector<1x128xi1> to vector<1x128xi1>
    %broadcast_in_dim3A_520 = vector.broadcast %broadcast_in_dim3A_519 : vector<1x128xi1> to vector<100x128xi1>
    %broadcast_in_dim3A_521 = vector.broadcast %jit3A_518 : f32 to vector<100x128xf32>
    %select_n3A_522 = arith.select %broadcast_in_dim3A_520, %get3A_489, %broadcast_in_dim3A_521 : vector<100x128xi1>, vector<100x128xf32>
    %dot_general3A_523 = arith.constant dense<0.000000e+00> : vector<1x100xf32>
    %dot_general3A_524 = tpu.matmul %broadcast_in_dim3A_0, %select_n3A_522, %dot_general3A_523 {dimension_numbers = #tpu.dot_dimension_numbers<[1], [1], [0], [0], [0, 0, 1, 0], [], []>, precision = #tpu.contract_precision<fp32>, transpose_lhs_hint = false} : vector<1x128xf32>, vector<100x128xf32>, vector<1x100xf32> -> vector<1x100xf32>
    %squeeze3A_525 = vector.shape_cast %get3A_493 : vector<1x8x100xf32> to vector<8x100xf32>
    %add3A_526 = vector.broadcast %dot_general3A_524 : vector<1x100xf32> to vector<8x100xf32>
    %add3A_527 = arith.addf %add3A_526, %squeeze3A_525 : vector<8x100xf32>
    %reduce_max3A_528 = arith.constant dense<0xFF800000> : vector<8xf32>
    %reduce_max3A_529 = vector.multi_reduction <maximumf>, %add3A_527, %reduce_max3A_528 [1] : vector<8x100xf32> to vector<8xf32>
    %broadcast_in_dim3A_530 = vector.shape_cast %reduce_max3A_529 : vector<8xf32> to vector<8x1xf32>
    %sub3A_531 = vector.broadcast %broadcast_in_dim3A_530 : vector<8x1xf32> to vector<8x100xf32>
    %sub3A_532 = arith.subf %add3A_527, %sub3A_531 : vector<8x100xf32>
    %exp3A_533 = math.exp %sub3A_532 : vector<8x100xf32>
    %reduce_sum3A_534 = arith.constant dense<0.000000e+00> : vector<8xf32>
    %reduce_sum3A_535 = vector.multi_reduction <add>, %exp3A_533, %reduce_sum3A_534 [1] : vector<8x100xf32> to vector<8xf32>
    %broadcast_in_dim3A_536 = vector.shape_cast %reduce_sum3A_535 : vector<8xf32> to vector<8x1xf32>
    %log3A_537 = math.log %broadcast_in_dim3A_536 : vector<8x1xf32>
    %add3A_538 = arith.addf %log3A_537, %broadcast_in_dim3A_530 : vector<8x1xf32>
    %sub3A_539 = vector.broadcast %add3A_538 : vector<8x1xf32> to vector<8x100xf32>
    %sub3A_540 = arith.subf %add3A_527, %sub3A_539 : vector<8x100xf32>
    %sub3A_541 = arith.constant 5.29831743 : f32
    %sub3A_542 = vector.broadcast %sub3A_541 : f32 to vector<8x100xf32>
    %sub3A_543 = arith.subf %sub3A_540, %sub3A_542 : vector<8x100xf32>
    %swap3A_544 = arith.constant 8 : index
    %swap3A_545 = arith.constant 0 : index
    %swap3A_546 = arith.constant 0 : index
    %swap3A_547 = vector.load %arg34[%swap3A_544, %swap3A_545, %swap3A_546] : memref<16x8x128xf32, #tpu.memory_space<vmem>>, vector<1x8x100xf32>
    %swap3A_548 = vector.shape_cast %swap3A_547 : vector<1x8x100xf32> to vector<8x100xf32>
    %swap3A_549 = vector.shape_cast %sub3A_543 : vector<8x100xf32> to vector<1x8x100xf32>
    tpu.vector_store %arg34[%swap3A_544, %swap3A_545, %swap3A_546], %swap3A_549 {strides = array<i32>} : memref<16x8x128xf32, #tpu.memory_space<vmem>>, vector<1x8x100xf32>,
    %get3A_550 = arith.constant 0 : index
    %get3A_551 = arith.constant 0 : index
    %get3A_552 = vector.load %arg11[%get3A_550, %get3A_551] : memref<100x128xf32, #tpu.memory_space<vmem>>, vector<100x128xf32>
    %get3A_553 = arith.constant 0 : index
    %get3A_554 = arith.constant 0 : index
    %get3A_555 = arith.constant 0 : index
    %get3A_556 = vector.load %arg27[%get3A_553, %get3A_554, %get3A_555] : memref<1x8x100xf32, #tpu.memory_space<vmem>>, vector<1x8x100xf32>
    %mul3A_557 = arith.constant 16 : i32
    %mul3A_558 = arith.muli %mul3A_557, %arg0 : i32
    %add3A_559 = arith.constant 9 : i32
    %add3A_560 = arith.addi %mul3A_558, %add3A_559 : i32
    %get3A_561 = arith.index_cast %add3A_560 : i32 to index
    %get3A_562 = memref.load %arg1[%get3A_561] : memref<1024xi32, #tpu.memory_space<smem>>
    %jit3A_563 = arith.constant 128 : i32
    %eq3A_564 = arith.constant 0 : i32
    %eq3A_565 = arith.cmpi eq, %jit3A_563, %eq3A_564 : i32
    %jit3A_566 = arith.constant 1 : i32
    %select_n3A_567 = arith.select %eq3A_565, %jit3A_566, %jit3A_563 : i32
    %rem3A_568 = arith.remsi %get3A_562, %select_n3A_567 : i32
    %ne3A_569 = arith.constant 0 : i32
    %ne3A_570 = arith.cmpi ne, %rem3A_568, %ne3A_569 : i32
    %lt3A_571 = arith.constant 0 : i32
    %lt3A_572 = arith.cmpi slt, %rem3A_568, %lt3A_571 : i32
    %lt3A_573 = arith.constant 0 : i32
    %lt3A_574 = arith.cmpi slt, %select_n3A_567, %lt3A_573 : i32
    %ne3A_575 = arith.xori %lt3A_572, %lt3A_574 : i1
    %and3A_576 = arith.andi %ne3A_575, %ne3A_570 : i1
    %add3A_577 = arith.addi %rem3A_568, %select_n3A_567 : i32
    %select_n3A_578 = arith.select %and3A_576, %add3A_577, %rem3A_568 : i32
    %eq3A_579 = vector.broadcast %select_n3A_578 : i32 to vector<1x128xi32>
    %eq3A_580 = arith.cmpi eq, %iota3A, %eq3A_579 : vector<1x128xi32>
    %jit3A_581 = arith.constant 0.000000e+00 : f32
    %broadcast_in_dim3A_582 = vector.shape_cast %eq3A_580 : vector<1x128xi1> to vector<1x128xi1>
    %broadcast_in_dim3A_583 = vector.broadcast %broadcast_in_dim3A_582 : vector<1x128xi1> to vector<100x128xi1>
    %broadcast_in_dim3A_584 = vector.broadcast %jit3A_581 : f32 to vector<100x128xf32>
    %select_n3A_585 = arith.select %broadcast_in_dim3A_583, %get3A_552, %broadcast_in_dim3A_584 : vector<100x128xi1>, vector<100x128xf32>
    %dot_general3A_586 = arith.constant dense<0.000000e+00> : vector<1x100xf32>
    %dot_general3A_587 = tpu.matmul %broadcast_in_dim3A_0, %select_n3A_585, %dot_general3A_586 {dimension_numbers = #tpu.dot_dimension_numbers<[1], [1], [0], [0], [0, 0, 1, 0], [], []>, precision = #tpu.contract_precision<fp32>, transpose_lhs_hint = false} : vector<1x128xf32>, vector<100x128xf32>, vector<1x100xf32> -> vector<1x100xf32>
    %squeeze3A_588 = vector.shape_cast %get3A_556 : vector<1x8x100xf32> to vector<8x100xf32>
    %add3A_589 = vector.broadcast %dot_general3A_587 : vector<1x100xf32> to vector<8x100xf32>
    %add3A_590 = arith.addf %add3A_589, %squeeze3A_588 : vector<8x100xf32>
    %reduce_max3A_591 = arith.constant dense<0xFF800000> : vector<8xf32>
    %reduce_max3A_592 = vector.multi_reduction <maximumf>, %add3A_590, %reduce_max3A_591 [1] : vector<8x100xf32> to vector<8xf32>
    %broadcast_in_dim3A_593 = vector.shape_cast %reduce_max3A_592 : vector<8xf32> to vector<8x1xf32>
    %sub3A_594 = vector.broadcast %broadcast_in_dim3A_593 : vector<8x1xf32> to vector<8x100xf32>
    %sub3A_595 = arith.subf %add3A_590, %sub3A_594 : vector<8x100xf32>
    %exp3A_596 = math.exp %sub3A_595 : vector<8x100xf32>
    %reduce_sum3A_597 = arith.constant dense<0.000000e+00> : vector<8xf32>
    %reduce_sum3A_598 = vector.multi_reduction <add>, %exp3A_596, %reduce_sum3A_597 [1] : vector<8x100xf32> to vector<8xf32>
    %broadcast_in_dim3A_599 = vector.shape_cast %reduce_sum3A_598 : vector<8xf32> to vector<8x1xf32>
    %log3A_600 = math.log %broadcast_in_dim3A_599 : vector<8x1xf32>
    %add3A_601 = arith.addf %log3A_600, %broadcast_in_dim3A_593 : vector<8x1xf32>
    %sub3A_602 = vector.broadcast %add3A_601 : vector<8x1xf32> to vector<8x100xf32>
    %sub3A_603 = arith.subf %add3A_590, %sub3A_602 : vector<8x100xf32>
    %sub3A_604 = arith.constant 5.29831743 : f32
    %sub3A_605 = vector.broadcast %sub3A_604 : f32 to vector<8x100xf32>
    %sub3A_606 = arith.subf %sub3A_603, %sub3A_605 : vector<8x100xf32>
    %swap3A_607 = arith.constant 9 : index
    %swap3A_608 = arith.constant 0 : index
    %swap3A_609 = arith.constant 0 : index
    %swap3A_610 = vector.load %arg34[%swap3A_607, %swap3A_608, %swap3A_609] : memref<16x8x128xf32, #tpu.memory_space<vmem>>, vector<1x8x100xf32>
    %swap3A_611 = vector.shape_cast %swap3A_610 : vector<1x8x100xf32> to vector<8x100xf32>
    %swap3A_612 = vector.shape_cast %sub3A_606 : vector<8x100xf32> to vector<1x8x100xf32>
    tpu.vector_store %arg34[%swap3A_607, %swap3A_608, %swap3A_609], %swap3A_612 {strides = array<i32>} : memref<16x8x128xf32, #tpu.memory_space<vmem>>, vector<1x8x100xf32>,
    %get3A_613 = arith.constant 0 : index
    %get3A_614 = arith.constant 0 : index
    %get3A_615 = vector.load %arg12[%get3A_613, %get3A_614] : memref<100x128xf32, #tpu.memory_space<vmem>>, vector<100x128xf32>
    %get3A_616 = arith.constant 0 : index
    %get3A_617 = arith.constant 0 : index
    %get3A_618 = arith.constant 0 : index
    %get3A_619 = vector.load %arg28[%get3A_616, %get3A_617, %get3A_618] : memref<1x8x100xf32, #tpu.memory_space<vmem>>, vector<1x8x100xf32>
    %mul3A_620 = arith.constant 16 : i32
    %mul3A_621 = arith.muli %mul3A_620, %arg0 : i32
    %add3A_622 = arith.constant 10 : i32
    %add3A_623 = arith.addi %mul3A_621, %add3A_622 : i32
    %get3A_624 = arith.index_cast %add3A_623 : i32 to index
    %get3A_625 = memref.load %arg1[%get3A_624] : memref<1024xi32, #tpu.memory_space<smem>>
    %jit3A_626 = arith.constant 128 : i32
    %eq3A_627 = arith.constant 0 : i32
    %eq3A_628 = arith.cmpi eq, %jit3A_626, %eq3A_627 : i32
    %jit3A_629 = arith.constant 1 : i32
    %select_n3A_630 = arith.select %eq3A_628, %jit3A_629, %jit3A_626 : i32
    %rem3A_631 = arith.remsi %get3A_625, %select_n3A_630 : i32
    %ne3A_632 = arith.constant 0 : i32
    %ne3A_633 = arith.cmpi ne, %rem3A_631, %ne3A_632 : i32
    %lt3A_634 = arith.constant 0 : i32
    %lt3A_635 = arith.cmpi slt, %rem3A_631, %lt3A_634 : i32
    %lt3A_636 = arith.constant 0 : i32
    %lt3A_637 = arith.cmpi slt, %select_n3A_630, %lt3A_636 : i32
    %ne3A_638 = arith.xori %lt3A_635, %lt3A_637 : i1
    %and3A_639 = arith.andi %ne3A_638, %ne3A_633 : i1
    %add3A_640 = arith.addi %rem3A_631, %select_n3A_630 : i32
    %select_n3A_641 = arith.select %and3A_639, %add3A_640, %rem3A_631 : i32
    %eq3A_642 = vector.broadcast %select_n3A_641 : i32 to vector<1x128xi32>
    %eq3A_643 = arith.cmpi eq, %iota3A, %eq3A_642 : vector<1x128xi32>
    %jit3A_644 = arith.constant 0.000000e+00 : f32
    %broadcast_in_dim3A_645 = vector.shape_cast %eq3A_643 : vector<1x128xi1> to vector<1x128xi1>
    %broadcast_in_dim3A_646 = vector.broadcast %broadcast_in_dim3A_645 : vector<1x128xi1> to vector<100x128xi1>
    %broadcast_in_dim3A_647 = vector.broadcast %jit3A_644 : f32 to vector<100x128xf32>
    %select_n3A_648 = arith.select %broadcast_in_dim3A_646, %get3A_615, %broadcast_in_dim3A_647 : vector<100x128xi1>, vector<100x128xf32>
    %dot_general3A_649 = arith.constant dense<0.000000e+00> : vector<1x100xf32>
    %dot_general3A_650 = tpu.matmul %broadcast_in_dim3A_0, %select_n3A_648, %dot_general3A_649 {dimension_numbers = #tpu.dot_dimension_numbers<[1], [1], [0], [0], [0, 0, 1, 0], [], []>, precision = #tpu.contract_precision<fp32>, transpose_lhs_hint = false} : vector<1x128xf32>, vector<100x128xf32>, vector<1x100xf32> -> vector<1x100xf32>
    %squeeze3A_651 = vector.shape_cast %get3A_619 : vector<1x8x100xf32> to vector<8x100xf32>
    %add3A_652 = vector.broadcast %dot_general3A_650 : vector<1x100xf32> to vector<8x100xf32>
    %add3A_653 = arith.addf %add3A_652, %squeeze3A_651 : vector<8x100xf32>
    %reduce_max3A_654 = arith.constant dense<0xFF800000> : vector<8xf32>
    %reduce_max3A_655 = vector.multi_reduction <maximumf>, %add3A_653, %reduce_max3A_654 [1] : vector<8x100xf32> to vector<8xf32>
    %broadcast_in_dim3A_656 = vector.shape_cast %reduce_max3A_655 : vector<8xf32> to vector<8x1xf32>
    %sub3A_657 = vector.broadcast %broadcast_in_dim3A_656 : vector<8x1xf32> to vector<8x100xf32>
    %sub3A_658 = arith.subf %add3A_653, %sub3A_657 : vector<8x100xf32>
    %exp3A_659 = math.exp %sub3A_658 : vector<8x100xf32>
    %reduce_sum3A_660 = arith.constant dense<0.000000e+00> : vector<8xf32>
    %reduce_sum3A_661 = vector.multi_reduction <add>, %exp3A_659, %reduce_sum3A_660 [1] : vector<8x100xf32> to vector<8xf32>
    %broadcast_in_dim3A_662 = vector.shape_cast %reduce_sum3A_661 : vector<8xf32> to vector<8x1xf32>
    %log3A_663 = math.log %broadcast_in_dim3A_662 : vector<8x1xf32>
    %add3A_664 = arith.addf %log3A_663, %broadcast_in_dim3A_656 : vector<8x1xf32>
    %sub3A_665 = vector.broadcast %add3A_664 : vector<8x1xf32> to vector<8x100xf32>
    %sub3A_666 = arith.subf %add3A_653, %sub3A_665 : vector<8x100xf32>
    %sub3A_667 = arith.constant 5.29831743 : f32
    %sub3A_668 = vector.broadcast %sub3A_667 : f32 to vector<8x100xf32>
    %sub3A_669 = arith.subf %sub3A_666, %sub3A_668 : vector<8x100xf32>
    %swap3A_670 = arith.constant 10 : index
    %swap3A_671 = arith.constant 0 : index
    %swap3A_672 = arith.constant 0 : index
    %swap3A_673 = vector.load %arg34[%swap3A_670, %swap3A_671, %swap3A_672] : memref<16x8x128xf32, #tpu.memory_space<vmem>>, vector<1x8x100xf32>
    %swap3A_674 = vector.shape_cast %swap3A_673 : vector<1x8x100xf32> to vector<8x100xf32>
    %swap3A_675 = vector.shape_cast %sub3A_669 : vector<8x100xf32> to vector<1x8x100xf32>
    tpu.vector_store %arg34[%swap3A_670, %swap3A_671, %swap3A_672], %swap3A_675 {strides = array<i32>} : memref<16x8x128xf32, #tpu.memory_space<vmem>>, vector<1x8x100xf32>,
    %get3A_676 = arith.constant 0 : index
    %get3A_677 = arith.constant 0 : index
    %get3A_678 = vector.load %arg13[%get3A_676, %get3A_677] : memref<100x128xf32, #tpu.memory_space<vmem>>, vector<100x128xf32>
    %get3A_679 = arith.constant 0 : index
    %get3A_680 = arith.constant 0 : index
    %get3A_681 = arith.constant 0 : index
    %get3A_682 = vector.load %arg29[%get3A_679, %get3A_680, %get3A_681] : memref<1x8x100xf32, #tpu.memory_space<vmem>>, vector<1x8x100xf32>
    %mul3A_683 = arith.constant 16 : i32
    %mul3A_684 = arith.muli %mul3A_683, %arg0 : i32
    %add3A_685 = arith.constant 11 : i32
    %add3A_686 = arith.addi %mul3A_684, %add3A_685 : i32
    %get3A_687 = arith.index_cast %add3A_686 : i32 to index
    %get3A_688 = memref.load %arg1[%get3A_687] : memref<1024xi32, #tpu.memory_space<smem>>
    %jit3A_689 = arith.constant 128 : i32
    %eq3A_690 = arith.constant 0 : i32
    %eq3A_691 = arith.cmpi eq, %jit3A_689, %eq3A_690 : i32
    %jit3A_692 = arith.constant 1 : i32
    %select_n3A_693 = arith.select %eq3A_691, %jit3A_692, %jit3A_689 : i32
    %rem3A_694 = arith.remsi %get3A_688, %select_n3A_693 : i32
    %ne3A_695 = arith.constant 0 : i32
    %ne3A_696 = arith.cmpi ne, %rem3A_694, %ne3A_695 : i32
    %lt3A_697 = arith.constant 0 : i32
    %lt3A_698 = arith.cmpi slt, %rem3A_694, %lt3A_697 : i32
    %lt3A_699 = arith.constant 0 : i32
    %lt3A_700 = arith.cmpi slt, %select_n3A_693, %lt3A_699 : i32
    %ne3A_701 = arith.xori %lt3A_698, %lt3A_700 : i1
    %and3A_702 = arith.andi %ne3A_701, %ne3A_696 : i1
    %add3A_703 = arith.addi %rem3A_694, %select_n3A_693 : i32
    %select_n3A_704 = arith.select %and3A_702, %add3A_703, %rem3A_694 : i32
    %eq3A_705 = vector.broadcast %select_n3A_704 : i32 to vector<1x128xi32>
    %eq3A_706 = arith.cmpi eq, %iota3A, %eq3A_705 : vector<1x128xi32>
    %jit3A_707 = arith.constant 0.000000e+00 : f32
    %broadcast_in_dim3A_708 = vector.shape_cast %eq3A_706 : vector<1x128xi1> to vector<1x128xi1>
    %broadcast_in_dim3A_709 = vector.broadcast %broadcast_in_dim3A_708 : vector<1x128xi1> to vector<100x128xi1>
    %broadcast_in_dim3A_710 = vector.broadcast %jit3A_707 : f32 to vector<100x128xf32>
    %select_n3A_711 = arith.select %broadcast_in_dim3A_709, %get3A_678, %broadcast_in_dim3A_710 : vector<100x128xi1>, vector<100x128xf32>
    %dot_general3A_712 = arith.constant dense<0.000000e+00> : vector<1x100xf32>
    %dot_general3A_713 = tpu.matmul %broadcast_in_dim3A_0, %select_n3A_711, %dot_general3A_712 {dimension_numbers = #tpu.dot_dimension_numbers<[1], [1], [0], [0], [0, 0, 1, 0], [], []>, precision = #tpu.contract_precision<fp32>, transpose_lhs_hint = false} : vector<1x128xf32>, vector<100x128xf32>, vector<1x100xf32> -> vector<1x100xf32>
    %squeeze3A_714 = vector.shape_cast %get3A_682 : vector<1x8x100xf32> to vector<8x100xf32>
    %add3A_715 = vector.broadcast %dot_general3A_713 : vector<1x100xf32> to vector<8x100xf32>
    %add3A_716 = arith.addf %add3A_715, %squeeze3A_714 : vector<8x100xf32>
    %reduce_max3A_717 = arith.constant dense<0xFF800000> : vector<8xf32>
    %reduce_max3A_718 = vector.multi_reduction <maximumf>, %add3A_716, %reduce_max3A_717 [1] : vector<8x100xf32> to vector<8xf32>
    %broadcast_in_dim3A_719 = vector.shape_cast %reduce_max3A_718 : vector<8xf32> to vector<8x1xf32>
    %sub3A_720 = vector.broadcast %broadcast_in_dim3A_719 : vector<8x1xf32> to vector<8x100xf32>
    %sub3A_721 = arith.subf %add3A_716, %sub3A_720 : vector<8x100xf32>
    %exp3A_722 = math.exp %sub3A_721 : vector<8x100xf32>
    %reduce_sum3A_723 = arith.constant dense<0.000000e+00> : vector<8xf32>
    %reduce_sum3A_724 = vector.multi_reduction <add>, %exp3A_722, %reduce_sum3A_723 [1] : vector<8x100xf32> to vector<8xf32>
    %broadcast_in_dim3A_725 = vector.shape_cast %reduce_sum3A_724 : vector<8xf32> to vector<8x1xf32>
    %log3A_726 = math.log %broadcast_in_dim3A_725 : vector<8x1xf32>
    %add3A_727 = arith.addf %log3A_726, %broadcast_in_dim3A_719 : vector<8x1xf32>
    %sub3A_728 = vector.broadcast %add3A_727 : vector<8x1xf32> to vector<8x100xf32>
    %sub3A_729 = arith.subf %add3A_716, %sub3A_728 : vector<8x100xf32>
    %sub3A_730 = arith.constant 5.29831743 : f32
    %sub3A_731 = vector.broadcast %sub3A_730 : f32 to vector<8x100xf32>
    %sub3A_732 = arith.subf %sub3A_729, %sub3A_731 : vector<8x100xf32>
    %swap3A_733 = arith.constant 11 : index
    %swap3A_734 = arith.constant 0 : index
    %swap3A_735 = arith.constant 0 : index
    %swap3A_736 = vector.load %arg34[%swap3A_733, %swap3A_734, %swap3A_735] : memref<16x8x128xf32, #tpu.memory_space<vmem>>, vector<1x8x100xf32>
    %swap3A_737 = vector.shape_cast %swap3A_736 : vector<1x8x100xf32> to vector<8x100xf32>
    %swap3A_738 = vector.shape_cast %sub3A_732 : vector<8x100xf32> to vector<1x8x100xf32>
    tpu.vector_store %arg34[%swap3A_733, %swap3A_734, %swap3A_735], %swap3A_738 {strides = array<i32>} : memref<16x8x128xf32, #tpu.memory_space<vmem>>, vector<1x8x100xf32>,
    %get3A_739 = arith.constant 0 : index
    %get3A_740 = arith.constant 0 : index
    %get3A_741 = vector.load %arg14[%get3A_739, %get3A_740] : memref<100x128xf32, #tpu.memory_space<vmem>>, vector<100x128xf32>
    %get3A_742 = arith.constant 0 : index
    %get3A_743 = arith.constant 0 : index
    %get3A_744 = arith.constant 0 : index
    %get3A_745 = vector.load %arg30[%get3A_742, %get3A_743, %get3A_744] : memref<1x8x100xf32, #tpu.memory_space<vmem>>, vector<1x8x100xf32>
    %mul3A_746 = arith.constant 16 : i32
    %mul3A_747 = arith.muli %mul3A_746, %arg0 : i32
    %add3A_748 = arith.constant 12 : i32
    %add3A_749 = arith.addi %mul3A_747, %add3A_748 : i32
    %get3A_750 = arith.index_cast %add3A_749 : i32 to index
    %get3A_751 = memref.load %arg1[%get3A_750] : memref<1024xi32, #tpu.memory_space<smem>>
    %jit3A_752 = arith.constant 128 : i32
    %eq3A_753 = arith.constant 0 : i32
    %eq3A_754 = arith.cmpi eq, %jit3A_752, %eq3A_753 : i32
    %jit3A_755 = arith.constant 1 : i32
    %select_n3A_756 = arith.select %eq3A_754, %jit3A_755, %jit3A_752 : i32
    %rem3A_757 = arith.remsi %get3A_751, %select_n3A_756 : i32
    %ne3A_758 = arith.constant 0 : i32
    %ne3A_759 = arith.cmpi ne, %rem3A_757, %ne3A_758 : i32
    %lt3A_760 = arith.constant 0 : i32
    %lt3A_761 = arith.cmpi slt, %rem3A_757, %lt3A_760 : i32
    %lt3A_762 = arith.constant 0 : i32
    %lt3A_763 = arith.cmpi slt, %select_n3A_756, %lt3A_762 : i32
    %ne3A_764 = arith.xori %lt3A_761, %lt3A_763 : i1
    %and3A_765 = arith.andi %ne3A_764, %ne3A_759 : i1
    %add3A_766 = arith.addi %rem3A_757, %select_n3A_756 : i32
    %select_n3A_767 = arith.select %and3A_765, %add3A_766, %rem3A_757 : i32
    %eq3A_768 = vector.broadcast %select_n3A_767 : i32 to vector<1x128xi32>
    %eq3A_769 = arith.cmpi eq, %iota3A, %eq3A_768 : vector<1x128xi32>
    %jit3A_770 = arith.constant 0.000000e+00 : f32
    %broadcast_in_dim3A_771 = vector.shape_cast %eq3A_769 : vector<1x128xi1> to vector<1x128xi1>
    %broadcast_in_dim3A_772 = vector.broadcast %broadcast_in_dim3A_771 : vector<1x128xi1> to vector<100x128xi1>
    %broadcast_in_dim3A_773 = vector.broadcast %jit3A_770 : f32 to vector<100x128xf32>
    %select_n3A_774 = arith.select %broadcast_in_dim3A_772, %get3A_741, %broadcast_in_dim3A_773 : vector<100x128xi1>, vector<100x128xf32>
    %dot_general3A_775 = arith.constant dense<0.000000e+00> : vector<1x100xf32>
    %dot_general3A_776 = tpu.matmul %broadcast_in_dim3A_0, %select_n3A_774, %dot_general3A_775 {dimension_numbers = #tpu.dot_dimension_numbers<[1], [1], [0], [0], [0, 0, 1, 0], [], []>, precision = #tpu.contract_precision<fp32>, transpose_lhs_hint = false} : vector<1x128xf32>, vector<100x128xf32>, vector<1x100xf32> -> vector<1x100xf32>
    %squeeze3A_777 = vector.shape_cast %get3A_745 : vector<1x8x100xf32> to vector<8x100xf32>
    %add3A_778 = vector.broadcast %dot_general3A_776 : vector<1x100xf32> to vector<8x100xf32>
    %add3A_779 = arith.addf %add3A_778, %squeeze3A_777 : vector<8x100xf32>
    %reduce_max3A_780 = arith.constant dense<0xFF800000> : vector<8xf32>
    %reduce_max3A_781 = vector.multi_reduction <maximumf>, %add3A_779, %reduce_max3A_780 [1] : vector<8x100xf32> to vector<8xf32>
    %broadcast_in_dim3A_782 = vector.shape_cast %reduce_max3A_781 : vector<8xf32> to vector<8x1xf32>
    %sub3A_783 = vector.broadcast %broadcast_in_dim3A_782 : vector<8x1xf32> to vector<8x100xf32>
    %sub3A_784 = arith.subf %add3A_779, %sub3A_783 : vector<8x100xf32>
    %exp3A_785 = math.exp %sub3A_784 : vector<8x100xf32>
    %reduce_sum3A_786 = arith.constant dense<0.000000e+00> : vector<8xf32>
    %reduce_sum3A_787 = vector.multi_reduction <add>, %exp3A_785, %reduce_sum3A_786 [1] : vector<8x100xf32> to vector<8xf32>
    %broadcast_in_dim3A_788 = vector.shape_cast %reduce_sum3A_787 : vector<8xf32> to vector<8x1xf32>
    %log3A_789 = math.log %broadcast_in_dim3A_788 : vector<8x1xf32>
    %add3A_790 = arith.addf %log3A_789, %broadcast_in_dim3A_782 : vector<8x1xf32>
    %sub3A_791 = vector.broadcast %add3A_790 : vector<8x1xf32> to vector<8x100xf32>
    %sub3A_792 = arith.subf %add3A_779, %sub3A_791 : vector<8x100xf32>
    %sub3A_793 = arith.constant 5.29831743 : f32
    %sub3A_794 = vector.broadcast %sub3A_793 : f32 to vector<8x100xf32>
    %sub3A_795 = arith.subf %sub3A_792, %sub3A_794 : vector<8x100xf32>
    %swap3A_796 = arith.constant 12 : index
    %swap3A_797 = arith.constant 0 : index
    %swap3A_798 = arith.constant 0 : index
    %swap3A_799 = vector.load %arg34[%swap3A_796, %swap3A_797, %swap3A_798] : memref<16x8x128xf32, #tpu.memory_space<vmem>>, vector<1x8x100xf32>
    %swap3A_800 = vector.shape_cast %swap3A_799 : vector<1x8x100xf32> to vector<8x100xf32>
    %swap3A_801 = vector.shape_cast %sub3A_795 : vector<8x100xf32> to vector<1x8x100xf32>
    tpu.vector_store %arg34[%swap3A_796, %swap3A_797, %swap3A_798], %swap3A_801 {strides = array<i32>} : memref<16x8x128xf32, #tpu.memory_space<vmem>>, vector<1x8x100xf32>,
    %get3A_802 = arith.constant 0 : index
    %get3A_803 = arith.constant 0 : index
    %get3A_804 = vector.load %arg15[%get3A_802, %get3A_803] : memref<100x128xf32, #tpu.memory_space<vmem>>, vector<100x128xf32>
    %get3A_805 = arith.constant 0 : index
    %get3A_806 = arith.constant 0 : index
    %get3A_807 = arith.constant 0 : index
    %get3A_808 = vector.load %arg31[%get3A_805, %get3A_806, %get3A_807] : memref<1x8x100xf32, #tpu.memory_space<vmem>>, vector<1x8x100xf32>
    %mul3A_809 = arith.constant 16 : i32
    %mul3A_810 = arith.muli %mul3A_809, %arg0 : i32
    %add3A_811 = arith.constant 13 : i32
    %add3A_812 = arith.addi %mul3A_810, %add3A_811 : i32
    %get3A_813 = arith.index_cast %add3A_812 : i32 to index
    %get3A_814 = memref.load %arg1[%get3A_813] : memref<1024xi32, #tpu.memory_space<smem>>
    %jit3A_815 = arith.constant 128 : i32
    %eq3A_816 = arith.constant 0 : i32
    %eq3A_817 = arith.cmpi eq, %jit3A_815, %eq3A_816 : i32
    %jit3A_818 = arith.constant 1 : i32
    %select_n3A_819 = arith.select %eq3A_817, %jit3A_818, %jit3A_815 : i32
    %rem3A_820 = arith.remsi %get3A_814, %select_n3A_819 : i32
    %ne3A_821 = arith.constant 0 : i32
    %ne3A_822 = arith.cmpi ne, %rem3A_820, %ne3A_821 : i32
    %lt3A_823 = arith.constant 0 : i32
    %lt3A_824 = arith.cmpi slt, %rem3A_820, %lt3A_823 : i32
    %lt3A_825 = arith.constant 0 : i32
    %lt3A_826 = arith.cmpi slt, %select_n3A_819, %lt3A_825 : i32
    %ne3A_827 = arith.xori %lt3A_824, %lt3A_826 : i1
    %and3A_828 = arith.andi %ne3A_827, %ne3A_822 : i1
    %add3A_829 = arith.addi %rem3A_820, %select_n3A_819 : i32
    %select_n3A_830 = arith.select %and3A_828, %add3A_829, %rem3A_820 : i32
    %eq3A_831 = vector.broadcast %select_n3A_830 : i32 to vector<1x128xi32>
    %eq3A_832 = arith.cmpi eq, %iota3A, %eq3A_831 : vector<1x128xi32>
    %jit3A_833 = arith.constant 0.000000e+00 : f32
    %broadcast_in_dim3A_834 = vector.shape_cast %eq3A_832 : vector<1x128xi1> to vector<1x128xi1>
    %broadcast_in_dim3A_835 = vector.broadcast %broadcast_in_dim3A_834 : vector<1x128xi1> to vector<100x128xi1>
    %broadcast_in_dim3A_836 = vector.broadcast %jit3A_833 : f32 to vector<100x128xf32>
    %select_n3A_837 = arith.select %broadcast_in_dim3A_835, %get3A_804, %broadcast_in_dim3A_836 : vector<100x128xi1>, vector<100x128xf32>
    %dot_general3A_838 = arith.constant dense<0.000000e+00> : vector<1x100xf32>
    %dot_general3A_839 = tpu.matmul %broadcast_in_dim3A_0, %select_n3A_837, %dot_general3A_838 {dimension_numbers = #tpu.dot_dimension_numbers<[1], [1], [0], [0], [0, 0, 1, 0], [], []>, precision = #tpu.contract_precision<fp32>, transpose_lhs_hint = false} : vector<1x128xf32>, vector<100x128xf32>, vector<1x100xf32> -> vector<1x100xf32>
    %squeeze3A_840 = vector.shape_cast %get3A_808 : vector<1x8x100xf32> to vector<8x100xf32>
    %add3A_841 = vector.broadcast %dot_general3A_839 : vector<1x100xf32> to vector<8x100xf32>
    %add3A_842 = arith.addf %add3A_841, %squeeze3A_840 : vector<8x100xf32>
    %reduce_max3A_843 = arith.constant dense<0xFF800000> : vector<8xf32>
    %reduce_max3A_844 = vector.multi_reduction <maximumf>, %add3A_842, %reduce_max3A_843 [1] : vector<8x100xf32> to vector<8xf32>
    %broadcast_in_dim3A_845 = vector.shape_cast %reduce_max3A_844 : vector<8xf32> to vector<8x1xf32>
    %sub3A_846 = vector.broadcast %broadcast_in_dim3A_845 : vector<8x1xf32> to vector<8x100xf32>
    %sub3A_847 = arith.subf %add3A_842, %sub3A_846 : vector<8x100xf32>
    %exp3A_848 = math.exp %sub3A_847 : vector<8x100xf32>
    %reduce_sum3A_849 = arith.constant dense<0.000000e+00> : vector<8xf32>
    %reduce_sum3A_850 = vector.multi_reduction <add>, %exp3A_848, %reduce_sum3A_849 [1] : vector<8x100xf32> to vector<8xf32>
    %broadcast_in_dim3A_851 = vector.shape_cast %reduce_sum3A_850 : vector<8xf32> to vector<8x1xf32>
    %log3A_852 = math.log %broadcast_in_dim3A_851 : vector<8x1xf32>
    %add3A_853 = arith.addf %log3A_852, %broadcast_in_dim3A_845 : vector<8x1xf32>
    %sub3A_854 = vector.broadcast %add3A_853 : vector<8x1xf32> to vector<8x100xf32>
    %sub3A_855 = arith.subf %add3A_842, %sub3A_854 : vector<8x100xf32>
    %sub3A_856 = arith.constant 5.29831743 : f32
    %sub3A_857 = vector.broadcast %sub3A_856 : f32 to vector<8x100xf32>
    %sub3A_858 = arith.subf %sub3A_855, %sub3A_857 : vector<8x100xf32>
    %swap3A_859 = arith.constant 13 : index
    %swap3A_860 = arith.constant 0 : index
    %swap3A_861 = arith.constant 0 : index
    %swap3A_862 = vector.load %arg34[%swap3A_859, %swap3A_860, %swap3A_861] : memref<16x8x128xf32, #tpu.memory_space<vmem>>, vector<1x8x100xf32>
    %swap3A_863 = vector.shape_cast %swap3A_862 : vector<1x8x100xf32> to vector<8x100xf32>
    %swap3A_864 = vector.shape_cast %sub3A_858 : vector<8x100xf32> to vector<1x8x100xf32>
    tpu.vector_store %arg34[%swap3A_859, %swap3A_860, %swap3A_861], %swap3A_864 {strides = array<i32>} : memref<16x8x128xf32, #tpu.memory_space<vmem>>, vector<1x8x100xf32>,
    %get3A_865 = arith.constant 0 : index
    %get3A_866 = arith.constant 0 : index
    %get3A_867 = vector.load %arg16[%get3A_865, %get3A_866] : memref<100x128xf32, #tpu.memory_space<vmem>>, vector<100x128xf32>
    %get3A_868 = arith.constant 0 : index
    %get3A_869 = arith.constant 0 : index
    %get3A_870 = arith.constant 0 : index
    %get3A_871 = vector.load %arg32[%get3A_868, %get3A_869, %get3A_870] : memref<1x8x100xf32, #tpu.memory_space<vmem>>, vector<1x8x100xf32>
    %mul3A_872 = arith.constant 16 : i32
    %mul3A_873 = arith.muli %mul3A_872, %arg0 : i32
    %add3A_874 = arith.constant 14 : i32
    %add3A_875 = arith.addi %mul3A_873, %add3A_874 : i32
    %get3A_876 = arith.index_cast %add3A_875 : i32 to index
    %get3A_877 = memref.load %arg1[%get3A_876] : memref<1024xi32, #tpu.memory_space<smem>>
    %jit3A_878 = arith.constant 128 : i32
    %eq3A_879 = arith.constant 0 : i32
    %eq3A_880 = arith.cmpi eq, %jit3A_878, %eq3A_879 : i32
    %jit3A_881 = arith.constant 1 : i32
    %select_n3A_882 = arith.select %eq3A_880, %jit3A_881, %jit3A_878 : i32
    %rem3A_883 = arith.remsi %get3A_877, %select_n3A_882 : i32
    %ne3A_884 = arith.constant 0 : i32
    %ne3A_885 = arith.cmpi ne, %rem3A_883, %ne3A_884 : i32
    %lt3A_886 = arith.constant 0 : i32
    %lt3A_887 = arith.cmpi slt, %rem3A_883, %lt3A_886 : i32
    %lt3A_888 = arith.constant 0 : i32
    %lt3A_889 = arith.cmpi slt, %select_n3A_882, %lt3A_888 : i32
    %ne3A_890 = arith.xori %lt3A_887, %lt3A_889 : i1
    %and3A_891 = arith.andi %ne3A_890, %ne3A_885 : i1
    %add3A_892 = arith.addi %rem3A_883, %select_n3A_882 : i32
    %select_n3A_893 = arith.select %and3A_891, %add3A_892, %rem3A_883 : i32
    %eq3A_894 = vector.broadcast %select_n3A_893 : i32 to vector<1x128xi32>
    %eq3A_895 = arith.cmpi eq, %iota3A, %eq3A_894 : vector<1x128xi32>
    %jit3A_896 = arith.constant 0.000000e+00 : f32
    %broadcast_in_dim3A_897 = vector.shape_cast %eq3A_895 : vector<1x128xi1> to vector<1x128xi1>
    %broadcast_in_dim3A_898 = vector.broadcast %broadcast_in_dim3A_897 : vector<1x128xi1> to vector<100x128xi1>
    %broadcast_in_dim3A_899 = vector.broadcast %jit3A_896 : f32 to vector<100x128xf32>
    %select_n3A_900 = arith.select %broadcast_in_dim3A_898, %get3A_867, %broadcast_in_dim3A_899 : vector<100x128xi1>, vector<100x128xf32>
    %dot_general3A_901 = arith.constant dense<0.000000e+00> : vector<1x100xf32>
    %dot_general3A_902 = tpu.matmul %broadcast_in_dim3A_0, %select_n3A_900, %dot_general3A_901 {dimension_numbers = #tpu.dot_dimension_numbers<[1], [1], [0], [0], [0, 0, 1, 0], [], []>, precision = #tpu.contract_precision<fp32>, transpose_lhs_hint = false} : vector<1x128xf32>, vector<100x128xf32>, vector<1x100xf32> -> vector<1x100xf32>
    %squeeze3A_903 = vector.shape_cast %get3A_871 : vector<1x8x100xf32> to vector<8x100xf32>
    %add3A_904 = vector.broadcast %dot_general3A_902 : vector<1x100xf32> to vector<8x100xf32>
    %add3A_905 = arith.addf %add3A_904, %squeeze3A_903 : vector<8x100xf32>
    %reduce_max3A_906 = arith.constant dense<0xFF800000> : vector<8xf32>
    %reduce_max3A_907 = vector.multi_reduction <maximumf>, %add3A_905, %reduce_max3A_906 [1] : vector<8x100xf32> to vector<8xf32>
    %broadcast_in_dim3A_908 = vector.shape_cast %reduce_max3A_907 : vector<8xf32> to vector<8x1xf32>
    %sub3A_909 = vector.broadcast %broadcast_in_dim3A_908 : vector<8x1xf32> to vector<8x100xf32>
    %sub3A_910 = arith.subf %add3A_905, %sub3A_909 : vector<8x100xf32>
    %exp3A_911 = math.exp %sub3A_910 : vector<8x100xf32>
    %reduce_sum3A_912 = arith.constant dense<0.000000e+00> : vector<8xf32>
    %reduce_sum3A_913 = vector.multi_reduction <add>, %exp3A_911, %reduce_sum3A_912 [1] : vector<8x100xf32> to vector<8xf32>
    %broadcast_in_dim3A_914 = vector.shape_cast %reduce_sum3A_913 : vector<8xf32> to vector<8x1xf32>
    %log3A_915 = math.log %broadcast_in_dim3A_914 : vector<8x1xf32>
    %add3A_916 = arith.addf %log3A_915, %broadcast_in_dim3A_908 : vector<8x1xf32>
    %sub3A_917 = vector.broadcast %add3A_916 : vector<8x1xf32> to vector<8x100xf32>
    %sub3A_918 = arith.subf %add3A_905, %sub3A_917 : vector<8x100xf32>
    %sub3A_919 = arith.constant 5.29831743 : f32
    %sub3A_920 = vector.broadcast %sub3A_919 : f32 to vector<8x100xf32>
    %sub3A_921 = arith.subf %sub3A_918, %sub3A_920 : vector<8x100xf32>
    %swap3A_922 = arith.constant 14 : index
    %swap3A_923 = arith.constant 0 : index
    %swap3A_924 = arith.constant 0 : index
    %swap3A_925 = vector.load %arg34[%swap3A_922, %swap3A_923, %swap3A_924] : memref<16x8x128xf32, #tpu.memory_space<vmem>>, vector<1x8x100xf32>
    %swap3A_926 = vector.shape_cast %swap3A_925 : vector<1x8x100xf32> to vector<8x100xf32>
    %swap3A_927 = vector.shape_cast %sub3A_921 : vector<8x100xf32> to vector<1x8x100xf32>
    tpu.vector_store %arg34[%swap3A_922, %swap3A_923, %swap3A_924], %swap3A_927 {strides = array<i32>} : memref<16x8x128xf32, #tpu.memory_space<vmem>>, vector<1x8x100xf32>,
    %get3A_928 = arith.constant 0 : index
    %get3A_929 = arith.constant 0 : index
    %get3A_930 = vector.load %arg17[%get3A_928, %get3A_929] : memref<100x128xf32, #tpu.memory_space<vmem>>, vector<100x128xf32>
    %get3A_931 = arith.constant 0 : index
    %get3A_932 = arith.constant 0 : index
    %get3A_933 = arith.constant 0 : index
    %get3A_934 = vector.load %arg33[%get3A_931, %get3A_932, %get3A_933] : memref<1x8x100xf32, #tpu.memory_space<vmem>>, vector<1x8x100xf32>
    %mul3A_935 = arith.constant 16 : i32
    %mul3A_936 = arith.muli %mul3A_935, %arg0 : i32
    %add3A_937 = arith.constant 15 : i32
    %add3A_938 = arith.addi %mul3A_936, %add3A_937 : i32
    %get3A_939 = arith.index_cast %add3A_938 : i32 to index
    %get3A_940 = memref.load %arg1[%get3A_939] : memref<1024xi32, #tpu.memory_space<smem>>
    %jit3A_941 = arith.constant 128 : i32
    %eq3A_942 = arith.constant 0 : i32
    %eq3A_943 = arith.cmpi eq, %jit3A_941, %eq3A_942 : i32
    %jit3A_944 = arith.constant 1 : i32
    %select_n3A_945 = arith.select %eq3A_943, %jit3A_944, %jit3A_941 : i32
    %rem3A_946 = arith.remsi %get3A_940, %select_n3A_945 : i32
    %ne3A_947 = arith.constant 0 : i32
    %ne3A_948 = arith.cmpi ne, %rem3A_946, %ne3A_947 : i32
    %lt3A_949 = arith.constant 0 : i32
    %lt3A_950 = arith.cmpi slt, %rem3A_946, %lt3A_949 : i32
    %lt3A_951 = arith.constant 0 : i32
    %lt3A_952 = arith.cmpi slt, %select_n3A_945, %lt3A_951 : i32
    %ne3A_953 = arith.xori %lt3A_950, %lt3A_952 : i1
    %and3A_954 = arith.andi %ne3A_953, %ne3A_948 : i1
    %add3A_955 = arith.addi %rem3A_946, %select_n3A_945 : i32
    %select_n3A_956 = arith.select %and3A_954, %add3A_955, %rem3A_946 : i32
    %eq3A_957 = vector.broadcast %select_n3A_956 : i32 to vector<1x128xi32>
    %eq3A_958 = arith.cmpi eq, %iota3A, %eq3A_957 : vector<1x128xi32>
    %jit3A_959 = arith.constant 0.000000e+00 : f32
    %broadcast_in_dim3A_960 = vector.shape_cast %eq3A_958 : vector<1x128xi1> to vector<1x128xi1>
    %broadcast_in_dim3A_961 = vector.broadcast %broadcast_in_dim3A_960 : vector<1x128xi1> to vector<100x128xi1>
    %broadcast_in_dim3A_962 = vector.broadcast %jit3A_959 : f32 to vector<100x128xf32>
    %select_n3A_963 = arith.select %broadcast_in_dim3A_961, %get3A_930, %broadcast_in_dim3A_962 : vector<100x128xi1>, vector<100x128xf32>
    %dot_general3A_964 = arith.constant dense<0.000000e+00> : vector<1x100xf32>
    %dot_general3A_965 = tpu.matmul %broadcast_in_dim3A_0, %select_n3A_963, %dot_general3A_964 {dimension_numbers = #tpu.dot_dimension_numbers<[1], [1], [0], [0], [0, 0, 1, 0], [], []>, precision = #tpu.contract_precision<fp32>, transpose_lhs_hint = false} : vector<1x128xf32>, vector<100x128xf32>, vector<1x100xf32> -> vector<1x100xf32>
    %squeeze3A_966 = vector.shape_cast %get3A_934 : vector<1x8x100xf32> to vector<8x100xf32>
    %add3A_967 = vector.broadcast %dot_general3A_965 : vector<1x100xf32> to vector<8x100xf32>
    %add3A_968 = arith.addf %add3A_967, %squeeze3A_966 : vector<8x100xf32>
    %reduce_max3A_969 = arith.constant dense<0xFF800000> : vector<8xf32>
    %reduce_max3A_970 = vector.multi_reduction <maximumf>, %add3A_968, %reduce_max3A_969 [1] : vector<8x100xf32> to vector<8xf32>
    %broadcast_in_dim3A_971 = vector.shape_cast %reduce_max3A_970 : vector<8xf32> to vector<8x1xf32>
    %sub3A_972 = vector.broadcast %broadcast_in_dim3A_971 : vector<8x1xf32> to vector<8x100xf32>
    %sub3A_973 = arith.subf %add3A_968, %sub3A_972 : vector<8x100xf32>
    %exp3A_974 = math.exp %sub3A_973 : vector<8x100xf32>
    %reduce_sum3A_975 = arith.constant dense<0.000000e+00> : vector<8xf32>
    %reduce_sum3A_976 = vector.multi_reduction <add>, %exp3A_974, %reduce_sum3A_975 [1] : vector<8x100xf32> to vector<8xf32>
    %broadcast_in_dim3A_977 = vector.shape_cast %reduce_sum3A_976 : vector<8xf32> to vector<8x1xf32>
    %log3A_978 = math.log %broadcast_in_dim3A_977 : vector<8x1xf32>
    %add3A_979 = arith.addf %log3A_978, %broadcast_in_dim3A_971 : vector<8x1xf32>
    %sub3A_980 = vector.broadcast %add3A_979 : vector<8x1xf32> to vector<8x100xf32>
    %sub3A_981 = arith.subf %add3A_968, %sub3A_980 : vector<8x100xf32>
    %sub3A_982 = arith.constant 5.29831743 : f32
    %sub3A_983 = vector.broadcast %sub3A_982 : f32 to vector<8x100xf32>
    %sub3A_984 = arith.subf %sub3A_981, %sub3A_983 : vector<8x100xf32>
    %swap3A_985 = arith.constant 15 : index
    %swap3A_986 = arith.constant 0 : index
    %swap3A_987 = arith.constant 0 : index
    %swap3A_988 = vector.load %arg34[%swap3A_985, %swap3A_986, %swap3A_987] : memref<16x8x128xf32, #tpu.memory_space<vmem>>, vector<1x8x100xf32>
    %swap3A_989 = vector.shape_cast %swap3A_988 : vector<1x8x100xf32> to vector<8x100xf32>
    %swap3A_990 = vector.shape_cast %sub3A_984 : vector<8x100xf32> to vector<1x8x100xf32>
    tpu.vector_store %arg34[%swap3A_985, %swap3A_986, %swap3A_987], %swap3A_990 {strides = array<i32>} : memref<16x8x128xf32, #tpu.memory_space<vmem>>, vector<1x8x100xf32>,
    return
  }
  func.func @transform_0(%arg0: i32, %arg1: memref<1024xi32, #tpu.memory_space<smem>>) -> (i32, i32) {
    %mul3A = arith.constant 16 : i32
    %mul3A_0 = arith.muli %mul3A, %arg0 : i32
    %add3A = arith.constant 0 : i32
    %add3A_1 = arith.addi %mul3A_0, %add3A : i32
    %get3A = arith.index_cast %add3A_1 : i32 to index
    %get3A_2 = memref.load %arg1[%get3A] : memref<1024xi32, #tpu.memory_space<smem>>
    %jit3A = arith.constant 128 : i32
    %div3A = arith.divsi %get3A_2, %jit3A : i32
    %sign3A = arith.constant 0 : i32
    %sign3A_3 = arith.cmpi sgt, %get3A_2, %sign3A : i32
    %sign3A_4 = arith.extui %sign3A_3 : i1 to i32
    %sign3A_5 = arith.constant 0 : i32
    %sign3A_6 = arith.cmpi slt, %get3A_2, %sign3A_5 : i32
    %sign3A_7 = arith.extui %sign3A_6 : i1 to i32
    %sign3A_8 = arith.subi %sign3A_4, %sign3A_7 : i32
    %sign3A_9 = arith.constant 0 : i32
    %sign3A_10 = arith.cmpi sgt, %jit3A, %sign3A_9 : i32
    %sign3A_11 = arith.extui %sign3A_10 : i1 to i32
    %sign3A_12 = arith.constant 0 : i32
    %sign3A_13 = arith.cmpi slt, %jit3A, %sign3A_12 : i32
    %sign3A_14 = arith.extui %sign3A_13 : i1 to i32
    %sign3A_15 = arith.subi %sign3A_11, %sign3A_14 : i32
    %ne3A = arith.cmpi ne, %sign3A_8, %sign3A_15 : i32
    %rem3A = arith.remsi %get3A_2, %jit3A : i32
    %ne3A_16 = arith.constant 0 : i32
    %ne3A_17 = arith.cmpi ne, %rem3A, %ne3A_16 : i32
    %and3A = arith.andi %ne3A, %ne3A_17 : i1
    %sub3A = arith.constant 1 : i32
    %sub3A_18 = arith.subi %div3A, %sub3A : i32
    %select_n3A = arith.select %and3A, %sub3A_18, %div3A : i32
    %c0_i32 = arith.constant 0 : i32
    %c0_i32_19 = arith.constant 0 : i32
    return %c0_i32, %select_n3A : i32, i32
  }
  func.func @transform_1(%arg0: i32, %arg1: memref<1024xi32, #tpu.memory_space<smem>>) -> (i32, i32) {
    %mul3A = arith.constant 16 : i32
    %mul3A_0 = arith.muli %mul3A, %arg0 : i32
    %add3A = arith.constant 1 : i32
    %add3A_1 = arith.addi %mul3A_0, %add3A : i32
    %get3A = arith.index_cast %add3A_1 : i32 to index
    %get3A_2 = memref.load %arg1[%get3A] : memref<1024xi32, #tpu.memory_space<smem>>
    %jit3A = arith.constant 128 : i32
    %div3A = arith.divsi %get3A_2, %jit3A : i32
    %sign3A = arith.constant 0 : i32
    %sign3A_3 = arith.cmpi sgt, %get3A_2, %sign3A : i32
    %sign3A_4 = arith.extui %sign3A_3 : i1 to i32
    %sign3A_5 = arith.constant 0 : i32
    %sign3A_6 = arith.cmpi slt, %get3A_2, %sign3A_5 : i32
    %sign3A_7 = arith.extui %sign3A_6 : i1 to i32
    %sign3A_8 = arith.subi %sign3A_4, %sign3A_7 : i32
    %sign3A_9 = arith.constant 0 : i32
    %sign3A_10 = arith.cmpi sgt, %jit3A, %sign3A_9 : i32
    %sign3A_11 = arith.extui %sign3A_10 : i1 to i32
    %sign3A_12 = arith.constant 0 : i32
    %sign3A_13 = arith.cmpi slt, %jit3A, %sign3A_12 : i32
    %sign3A_14 = arith.extui %sign3A_13 : i1 to i32
    %sign3A_15 = arith.subi %sign3A_11, %sign3A_14 : i32
    %ne3A = arith.cmpi ne, %sign3A_8, %sign3A_15 : i32
    %rem3A = arith.remsi %get3A_2, %jit3A : i32
    %ne3A_16 = arith.constant 0 : i32
    %ne3A_17 = arith.cmpi ne, %rem3A, %ne3A_16 : i32
    %and3A = arith.andi %ne3A, %ne3A_17 : i1
    %sub3A = arith.constant 1 : i32
    %sub3A_18 = arith.subi %div3A, %sub3A : i32
    %select_n3A = arith.select %and3A, %sub3A_18, %div3A : i32
    %c0_i32 = arith.constant 0 : i32
    %c0_i32_19 = arith.constant 0 : i32
    return %c0_i32, %select_n3A : i32, i32
  }
  func.func @transform_2(%arg0: i32, %arg1: memref<1024xi32, #tpu.memory_space<smem>>) -> (i32, i32) {
    %mul3A = arith.constant 16 : i32
    %mul3A_0 = arith.muli %mul3A, %arg0 : i32
    %add3A = arith.constant 2 : i32
    %add3A_1 = arith.addi %mul3A_0, %add3A : i32
    %get3A = arith.index_cast %add3A_1 : i32 to index
    %get3A_2 = memref.load %arg1[%get3A] : memref<1024xi32, #tpu.memory_space<smem>>
    %jit3A = arith.constant 128 : i32
    %div3A = arith.divsi %get3A_2, %jit3A : i32
    %sign3A = arith.constant 0 : i32
    %sign3A_3 = arith.cmpi sgt, %get3A_2, %sign3A : i32
    %sign3A_4 = arith.extui %sign3A_3 : i1 to i32
    %sign3A_5 = arith.constant 0 : i32
    %sign3A_6 = arith.cmpi slt, %get3A_2, %sign3A_5 : i32
    %sign3A_7 = arith.extui %sign3A_6 : i1 to i32
    %sign3A_8 = arith.subi %sign3A_4, %sign3A_7 : i32
    %sign3A_9 = arith.constant 0 : i32
    %sign3A_10 = arith.cmpi sgt, %jit3A, %sign3A_9 : i32
    %sign3A_11 = arith.extui %sign3A_10 : i1 to i32
    %sign3A_12 = arith.constant 0 : i32
    %sign3A_13 = arith.cmpi slt, %jit3A, %sign3A_12 : i32
    %sign3A_14 = arith.extui %sign3A_13 : i1 to i32
    %sign3A_15 = arith.subi %sign3A_11, %sign3A_14 : i32
    %ne3A = arith.cmpi ne, %sign3A_8, %sign3A_15 : i32
    %rem3A = arith.remsi %get3A_2, %jit3A : i32
    %ne3A_16 = arith.constant 0 : i32
    %ne3A_17 = arith.cmpi ne, %rem3A, %ne3A_16 : i32
    %and3A = arith.andi %ne3A, %ne3A_17 : i1
    %sub3A = arith.constant 1 : i32
    %sub3A_18 = arith.subi %div3A, %sub3A : i32
    %select_n3A = arith.select %and3A, %sub3A_18, %div3A : i32
    %c0_i32 = arith.constant 0 : i32
    %c0_i32_19 = arith.constant 0 : i32
    return %c0_i32, %select_n3A : i32, i32
  }
  func.func @transform_3(%arg0: i32, %arg1: memref<1024xi32, #tpu.memory_space<smem>>) -> (i32, i32) {
    %mul3A = arith.constant 16 : i32
    %mul3A_0 = arith.muli %mul3A, %arg0 : i32
    %add3A = arith.constant 3 : i32
    %add3A_1 = arith.addi %mul3A_0, %add3A : i32
    %get3A = arith.index_cast %add3A_1 : i32 to index
    %get3A_2 = memref.load %arg1[%get3A] : memref<1024xi32, #tpu.memory_space<smem>>
    %jit3A = arith.constant 128 : i32
    %div3A = arith.divsi %get3A_2, %jit3A : i32
    %sign3A = arith.constant 0 : i32
    %sign3A_3 = arith.cmpi sgt, %get3A_2, %sign3A : i32
    %sign3A_4 = arith.extui %sign3A_3 : i1 to i32
    %sign3A_5 = arith.constant 0 : i32
    %sign3A_6 = arith.cmpi slt, %get3A_2, %sign3A_5 : i32
    %sign3A_7 = arith.extui %sign3A_6 : i1 to i32
    %sign3A_8 = arith.subi %sign3A_4, %sign3A_7 : i32
    %sign3A_9 = arith.constant 0 : i32
    %sign3A_10 = arith.cmpi sgt, %jit3A, %sign3A_9 : i32
    %sign3A_11 = arith.extui %sign3A_10 : i1 to i32
    %sign3A_12 = arith.constant 0 : i32
    %sign3A_13 = arith.cmpi slt, %jit3A, %sign3A_12 : i32
    %sign3A_14 = arith.extui %sign3A_13 : i1 to i32
    %sign3A_15 = arith.subi %sign3A_11, %sign3A_14 : i32
    %ne3A = arith.cmpi ne, %sign3A_8, %sign3A_15 : i32
    %rem3A = arith.remsi %get3A_2, %jit3A : i32
    %ne3A_16 = arith.constant 0 : i32
    %ne3A_17 = arith.cmpi ne, %rem3A, %ne3A_16 : i32
    %and3A = arith.andi %ne3A, %ne3A_17 : i1
    %sub3A = arith.constant 1 : i32
    %sub3A_18 = arith.subi %div3A, %sub3A : i32
    %select_n3A = arith.select %and3A, %sub3A_18, %div3A : i32
    %c0_i32 = arith.constant 0 : i32
    %c0_i32_19 = arith.constant 0 : i32
    return %c0_i32, %select_n3A : i32, i32
  }
  func.func @transform_4(%arg0: i32, %arg1: memref<1024xi32, #tpu.memory_space<smem>>) -> (i32, i32) {
    %mul3A = arith.constant 16 : i32
    %mul3A_0 = arith.muli %mul3A, %arg0 : i32
    %add3A = arith.constant 4 : i32
    %add3A_1 = arith.addi %mul3A_0, %add3A : i32
    %get3A = arith.index_cast %add3A_1 : i32 to index
    %get3A_2 = memref.load %arg1[%get3A] : memref<1024xi32, #tpu.memory_space<smem>>
    %jit3A = arith.constant 128 : i32
    %div3A = arith.divsi %get3A_2, %jit3A : i32
    %sign3A = arith.constant 0 : i32
    %sign3A_3 = arith.cmpi sgt, %get3A_2, %sign3A : i32
    %sign3A_4 = arith.extui %sign3A_3 : i1 to i32
    %sign3A_5 = arith.constant 0 : i32
    %sign3A_6 = arith.cmpi slt, %get3A_2, %sign3A_5 : i32
    %sign3A_7 = arith.extui %sign3A_6 : i1 to i32
    %sign3A_8 = arith.subi %sign3A_4, %sign3A_7 : i32
    %sign3A_9 = arith.constant 0 : i32
    %sign3A_10 = arith.cmpi sgt, %jit3A, %sign3A_9 : i32
    %sign3A_11 = arith.extui %sign3A_10 : i1 to i32
    %sign3A_12 = arith.constant 0 : i32
    %sign3A_13 = arith.cmpi slt, %jit3A, %sign3A_12 : i32
    %sign3A_14 = arith.extui %sign3A_13 : i1 to i32
    %sign3A_15 = arith.subi %sign3A_11, %sign3A_14 : i32
    %ne3A = arith.cmpi ne, %sign3A_8, %sign3A_15 : i32
    %rem3A = arith.remsi %get3A_2, %jit3A : i32
    %ne3A_16 = arith.constant 0 : i32
    %ne3A_17 = arith.cmpi ne, %rem3A, %ne3A_16 : i32
    %and3A = arith.andi %ne3A, %ne3A_17 : i1
    %sub3A = arith.constant 1 : i32
    %sub3A_18 = arith.subi %div3A, %sub3A : i32
    %select_n3A = arith.select %and3A, %sub3A_18, %div3A : i32
    %c0_i32 = arith.constant 0 : i32
    %c0_i32_19 = arith.constant 0 : i32
    return %c0_i32, %select_n3A : i32, i32
  }
  func.func @transform_5(%arg0: i32, %arg1: memref<1024xi32, #tpu.memory_space<smem>>) -> (i32, i32) {
    %mul3A = arith.constant 16 : i32
    %mul3A_0 = arith.muli %mul3A, %arg0 : i32
    %add3A = arith.constant 5 : i32
    %add3A_1 = arith.addi %mul3A_0, %add3A : i32
    %get3A = arith.index_cast %add3A_1 : i32 to index
    %get3A_2 = memref.load %arg1[%get3A] : memref<1024xi32, #tpu.memory_space<smem>>
    %jit3A = arith.constant 128 : i32
    %div3A = arith.divsi %get3A_2, %jit3A : i32
    %sign3A = arith.constant 0 : i32
    %sign3A_3 = arith.cmpi sgt, %get3A_2, %sign3A : i32
    %sign3A_4 = arith.extui %sign3A_3 : i1 to i32
    %sign3A_5 = arith.constant 0 : i32
    %sign3A_6 = arith.cmpi slt, %get3A_2, %sign3A_5 : i32
    %sign3A_7 = arith.extui %sign3A_6 : i1 to i32
    %sign3A_8 = arith.subi %sign3A_4, %sign3A_7 : i32
    %sign3A_9 = arith.constant 0 : i32
    %sign3A_10 = arith.cmpi sgt, %jit3A, %sign3A_9 : i32
    %sign3A_11 = arith.extui %sign3A_10 : i1 to i32
    %sign3A_12 = arith.constant 0 : i32
    %sign3A_13 = arith.cmpi slt, %jit3A, %sign3A_12 : i32
    %sign3A_14 = arith.extui %sign3A_13 : i1 to i32
    %sign3A_15 = arith.subi %sign3A_11, %sign3A_14 : i32
    %ne3A = arith.cmpi ne, %sign3A_8, %sign3A_15 : i32
    %rem3A = arith.remsi %get3A_2, %jit3A : i32
    %ne3A_16 = arith.constant 0 : i32
    %ne3A_17 = arith.cmpi ne, %rem3A, %ne3A_16 : i32
    %and3A = arith.andi %ne3A, %ne3A_17 : i1
    %sub3A = arith.constant 1 : i32
    %sub3A_18 = arith.subi %div3A, %sub3A : i32
    %select_n3A = arith.select %and3A, %sub3A_18, %div3A : i32
    %c0_i32 = arith.constant 0 : i32
    %c0_i32_19 = arith.constant 0 : i32
    return %c0_i32, %select_n3A : i32, i32
  }
  func.func @transform_6(%arg0: i32, %arg1: memref<1024xi32, #tpu.memory_space<smem>>) -> (i32, i32) {
    %mul3A = arith.constant 16 : i32
    %mul3A_0 = arith.muli %mul3A, %arg0 : i32
    %add3A = arith.constant 6 : i32
    %add3A_1 = arith.addi %mul3A_0, %add3A : i32
    %get3A = arith.index_cast %add3A_1 : i32 to index
    %get3A_2 = memref.load %arg1[%get3A] : memref<1024xi32, #tpu.memory_space<smem>>
    %jit3A = arith.constant 128 : i32
    %div3A = arith.divsi %get3A_2, %jit3A : i32
    %sign3A = arith.constant 0 : i32
    %sign3A_3 = arith.cmpi sgt, %get3A_2, %sign3A : i32
    %sign3A_4 = arith.extui %sign3A_3 : i1 to i32
    %sign3A_5 = arith.constant 0 : i32
    %sign3A_6 = arith.cmpi slt, %get3A_2, %sign3A_5 : i32
    %sign3A_7 = arith.extui %sign3A_6 : i1 to i32
    %sign3A_8 = arith.subi %sign3A_4, %sign3A_7 : i32
    %sign3A_9 = arith.constant 0 : i32
    %sign3A_10 = arith.cmpi sgt, %jit3A, %sign3A_9 : i32
    %sign3A_11 = arith.extui %sign3A_10 : i1 to i32
    %sign3A_12 = arith.constant 0 : i32
    %sign3A_13 = arith.cmpi slt, %jit3A, %sign3A_12 : i32
    %sign3A_14 = arith.extui %sign3A_13 : i1 to i32
    %sign3A_15 = arith.subi %sign3A_11, %sign3A_14 : i32
    %ne3A = arith.cmpi ne, %sign3A_8, %sign3A_15 : i32
    %rem3A = arith.remsi %get3A_2, %jit3A : i32
    %ne3A_16 = arith.constant 0 : i32
    %ne3A_17 = arith.cmpi ne, %rem3A, %ne3A_16 : i32
    %and3A = arith.andi %ne3A, %ne3A_17 : i1
    %sub3A = arith.constant 1 : i32
    %sub3A_18 = arith.subi %div3A, %sub3A : i32
    %select_n3A = arith.select %and3A, %sub3A_18, %div3A : i32
    %c0_i32 = arith.constant 0 : i32
    %c0_i32_19 = arith.constant 0 : i32
    return %c0_i32, %select_n3A : i32, i32
  }
  func.func @transform_7(%arg0: i32, %arg1: memref<1024xi32, #tpu.memory_space<smem>>) -> (i32, i32) {
    %mul3A = arith.constant 16 : i32
    %mul3A_0 = arith.muli %mul3A, %arg0 : i32
    %add3A = arith.constant 7 : i32
    %add3A_1 = arith.addi %mul3A_0, %add3A : i32
    %get3A = arith.index_cast %add3A_1 : i32 to index
    %get3A_2 = memref.load %arg1[%get3A] : memref<1024xi32, #tpu.memory_space<smem>>
    %jit3A = arith.constant 128 : i32
    %div3A = arith.divsi %get3A_2, %jit3A : i32
    %sign3A = arith.constant 0 : i32
    %sign3A_3 = arith.cmpi sgt, %get3A_2, %sign3A : i32
    %sign3A_4 = arith.extui %sign3A_3 : i1 to i32
    %sign3A_5 = arith.constant 0 : i32
    %sign3A_6 = arith.cmpi slt, %get3A_2, %sign3A_5 : i32
    %sign3A_7 = arith.extui %sign3A_6 : i1 to i32
    %sign3A_8 = arith.subi %sign3A_4, %sign3A_7 : i32
    %sign3A_9 = arith.constant 0 : i32
    %sign3A_10 = arith.cmpi sgt, %jit3A, %sign3A_9 : i32
    %sign3A_11 = arith.extui %sign3A_10 : i1 to i32
    %sign3A_12 = arith.constant 0 : i32
    %sign3A_13 = arith.cmpi slt, %jit3A, %sign3A_12 : i32
    %sign3A_14 = arith.extui %sign3A_13 : i1 to i32
    %sign3A_15 = arith.subi %sign3A_11, %sign3A_14 : i32
    %ne3A = arith.cmpi ne, %sign3A_8, %sign3A_15 : i32
    %rem3A = arith.remsi %get3A_2, %jit3A : i32
    %ne3A_16 = arith.constant 0 : i32
    %ne3A_17 = arith.cmpi ne, %rem3A, %ne3A_16 : i32
    %and3A = arith.andi %ne3A, %ne3A_17 : i1
    %sub3A = arith.constant 1 : i32
    %sub3A_18 = arith.subi %div3A, %sub3A : i32
    %select_n3A = arith.select %and3A, %sub3A_18, %div3A : i32
    %c0_i32 = arith.constant 0 : i32
    %c0_i32_19 = arith.constant 0 : i32
    return %c0_i32, %select_n3A : i32, i32
  }
  func.func @transform_8(%arg0: i32, %arg1: memref<1024xi32, #tpu.memory_space<smem>>) -> (i32, i32) {
    %mul3A = arith.constant 16 : i32
    %mul3A_0 = arith.muli %mul3A, %arg0 : i32
    %add3A = arith.constant 8 : i32
    %add3A_1 = arith.addi %mul3A_0, %add3A : i32
    %get3A = arith.index_cast %add3A_1 : i32 to index
    %get3A_2 = memref.load %arg1[%get3A] : memref<1024xi32, #tpu.memory_space<smem>>
    %jit3A = arith.constant 128 : i32
    %div3A = arith.divsi %get3A_2, %jit3A : i32
    %sign3A = arith.constant 0 : i32
    %sign3A_3 = arith.cmpi sgt, %get3A_2, %sign3A : i32
    %sign3A_4 = arith.extui %sign3A_3 : i1 to i32
    %sign3A_5 = arith.constant 0 : i32
    %sign3A_6 = arith.cmpi slt, %get3A_2, %sign3A_5 : i32
    %sign3A_7 = arith.extui %sign3A_6 : i1 to i32
    %sign3A_8 = arith.subi %sign3A_4, %sign3A_7 : i32
    %sign3A_9 = arith.constant 0 : i32
    %sign3A_10 = arith.cmpi sgt, %jit3A, %sign3A_9 : i32
    %sign3A_11 = arith.extui %sign3A_10 : i1 to i32
    %sign3A_12 = arith.constant 0 : i32
    %sign3A_13 = arith.cmpi slt, %jit3A, %sign3A_12 : i32
    %sign3A_14 = arith.extui %sign3A_13 : i1 to i32
    %sign3A_15 = arith.subi %sign3A_11, %sign3A_14 : i32
    %ne3A = arith.cmpi ne, %sign3A_8, %sign3A_15 : i32
    %rem3A = arith.remsi %get3A_2, %jit3A : i32
    %ne3A_16 = arith.constant 0 : i32
    %ne3A_17 = arith.cmpi ne, %rem3A, %ne3A_16 : i32
    %and3A = arith.andi %ne3A, %ne3A_17 : i1
    %sub3A = arith.constant 1 : i32
    %sub3A_18 = arith.subi %div3A, %sub3A : i32
    %select_n3A = arith.select %and3A, %sub3A_18, %div3A : i32
    %c0_i32 = arith.constant 0 : i32
    %c0_i32_19 = arith.constant 0 : i32
    return %c0_i32, %select_n3A : i32, i32
  }
  func.func @transform_9(%arg0: i32, %arg1: memref<1024xi32, #tpu.memory_space<smem>>) -> (i32, i32) {
    %mul3A = arith.constant 16 : i32
    %mul3A_0 = arith.muli %mul3A, %arg0 : i32
    %add3A = arith.constant 9 : i32
    %add3A_1 = arith.addi %mul3A_0, %add3A : i32
    %get3A = arith.index_cast %add3A_1 : i32 to index
    %get3A_2 = memref.load %arg1[%get3A] : memref<1024xi32, #tpu.memory_space<smem>>
    %jit3A = arith.constant 128 : i32
    %div3A = arith.divsi %get3A_2, %jit3A : i32
    %sign3A = arith.constant 0 : i32
    %sign3A_3 = arith.cmpi sgt, %get3A_2, %sign3A : i32
    %sign3A_4 = arith.extui %sign3A_3 : i1 to i32
    %sign3A_5 = arith.constant 0 : i32
    %sign3A_6 = arith.cmpi slt, %get3A_2, %sign3A_5 : i32
    %sign3A_7 = arith.extui %sign3A_6 : i1 to i32
    %sign3A_8 = arith.subi %sign3A_4, %sign3A_7 : i32
    %sign3A_9 = arith.constant 0 : i32
    %sign3A_10 = arith.cmpi sgt, %jit3A, %sign3A_9 : i32
    %sign3A_11 = arith.extui %sign3A_10 : i1 to i32
    %sign3A_12 = arith.constant 0 : i32
    %sign3A_13 = arith.cmpi slt, %jit3A, %sign3A_12 : i32
    %sign3A_14 = arith.extui %sign3A_13 : i1 to i32
    %sign3A_15 = arith.subi %sign3A_11, %sign3A_14 : i32
    %ne3A = arith.cmpi ne, %sign3A_8, %sign3A_15 : i32
    %rem3A = arith.remsi %get3A_2, %jit3A : i32
    %ne3A_16 = arith.constant 0 : i32
    %ne3A_17 = arith.cmpi ne, %rem3A, %ne3A_16 : i32
    %and3A = arith.andi %ne3A, %ne3A_17 : i1
    %sub3A = arith.constant 1 : i32
    %sub3A_18 = arith.subi %div3A, %sub3A : i32
    %select_n3A = arith.select %and3A, %sub3A_18, %div3A : i32
    %c0_i32 = arith.constant 0 : i32
    %c0_i32_19 = arith.constant 0 : i32
    return %c0_i32, %select_n3A : i32, i32
  }
  func.func @transform_10(%arg0: i32, %arg1: memref<1024xi32, #tpu.memory_space<smem>>) -> (i32, i32) {
    %mul3A = arith.constant 16 : i32
    %mul3A_0 = arith.muli %mul3A, %arg0 : i32
    %add3A = arith.constant 10 : i32
    %add3A_1 = arith.addi %mul3A_0, %add3A : i32
    %get3A = arith.index_cast %add3A_1 : i32 to index
    %get3A_2 = memref.load %arg1[%get3A] : memref<1024xi32, #tpu.memory_space<smem>>
    %jit3A = arith.constant 128 : i32
    %div3A = arith.divsi %get3A_2, %jit3A : i32
    %sign3A = arith.constant 0 : i32
    %sign3A_3 = arith.cmpi sgt, %get3A_2, %sign3A : i32
    %sign3A_4 = arith.extui %sign3A_3 : i1 to i32
    %sign3A_5 = arith.constant 0 : i32
    %sign3A_6 = arith.cmpi slt, %get3A_2, %sign3A_5 : i32
    %sign3A_7 = arith.extui %sign3A_6 : i1 to i32
    %sign3A_8 = arith.subi %sign3A_4, %sign3A_7 : i32
    %sign3A_9 = arith.constant 0 : i32
    %sign3A_10 = arith.cmpi sgt, %jit3A, %sign3A_9 : i32
    %sign3A_11 = arith.extui %sign3A_10 : i1 to i32
    %sign3A_12 = arith.constant 0 : i32
    %sign3A_13 = arith.cmpi slt, %jit3A, %sign3A_12 : i32
    %sign3A_14 = arith.extui %sign3A_13 : i1 to i32
    %sign3A_15 = arith.subi %sign3A_11, %sign3A_14 : i32
    %ne3A = arith.cmpi ne, %sign3A_8, %sign3A_15 : i32
    %rem3A = arith.remsi %get3A_2, %jit3A : i32
    %ne3A_16 = arith.constant 0 : i32
    %ne3A_17 = arith.cmpi ne, %rem3A, %ne3A_16 : i32
    %and3A = arith.andi %ne3A, %ne3A_17 : i1
    %sub3A = arith.constant 1 : i32
    %sub3A_18 = arith.subi %div3A, %sub3A : i32
    %select_n3A = arith.select %and3A, %sub3A_18, %div3A : i32
    %c0_i32 = arith.constant 0 : i32
    %c0_i32_19 = arith.constant 0 : i32
    return %c0_i32, %select_n3A : i32, i32
  }
  func.func @transform_11(%arg0: i32, %arg1: memref<1024xi32, #tpu.memory_space<smem>>) -> (i32, i32) {
    %mul3A = arith.constant 16 : i32
    %mul3A_0 = arith.muli %mul3A, %arg0 : i32
    %add3A = arith.constant 11 : i32
    %add3A_1 = arith.addi %mul3A_0, %add3A : i32
    %get3A = arith.index_cast %add3A_1 : i32 to index
    %get3A_2 = memref.load %arg1[%get3A] : memref<1024xi32, #tpu.memory_space<smem>>
    %jit3A = arith.constant 128 : i32
    %div3A = arith.divsi %get3A_2, %jit3A : i32
    %sign3A = arith.constant 0 : i32
    %sign3A_3 = arith.cmpi sgt, %get3A_2, %sign3A : i32
    %sign3A_4 = arith.extui %sign3A_3 : i1 to i32
    %sign3A_5 = arith.constant 0 : i32
    %sign3A_6 = arith.cmpi slt, %get3A_2, %sign3A_5 : i32
    %sign3A_7 = arith.extui %sign3A_6 : i1 to i32
    %sign3A_8 = arith.subi %sign3A_4, %sign3A_7 : i32
    %sign3A_9 = arith.constant 0 : i32
    %sign3A_10 = arith.cmpi sgt, %jit3A, %sign3A_9 : i32
    %sign3A_11 = arith.extui %sign3A_10 : i1 to i32
    %sign3A_12 = arith.constant 0 : i32
    %sign3A_13 = arith.cmpi slt, %jit3A, %sign3A_12 : i32
    %sign3A_14 = arith.extui %sign3A_13 : i1 to i32
    %sign3A_15 = arith.subi %sign3A_11, %sign3A_14 : i32
    %ne3A = arith.cmpi ne, %sign3A_8, %sign3A_15 : i32
    %rem3A = arith.remsi %get3A_2, %jit3A : i32
    %ne3A_16 = arith.constant 0 : i32
    %ne3A_17 = arith.cmpi ne, %rem3A, %ne3A_16 : i32
    %and3A = arith.andi %ne3A, %ne3A_17 : i1
    %sub3A = arith.constant 1 : i32
    %sub3A_18 = arith.subi %div3A, %sub3A : i32
    %select_n3A = arith.select %and3A, %sub3A_18, %div3A : i32
    %c0_i32 = arith.constant 0 : i32
    %c0_i32_19 = arith.constant 0 : i32
    return %c0_i32, %select_n3A : i32, i32
  }
  func.func @transform_12(%arg0: i32, %arg1: memref<1024xi32, #tpu.memory_space<smem>>) -> (i32, i32) {
    %mul3A = arith.constant 16 : i32
    %mul3A_0 = arith.muli %mul3A, %arg0 : i32
    %add3A = arith.constant 12 : i32
    %add3A_1 = arith.addi %mul3A_0, %add3A : i32
    %get3A = arith.index_cast %add3A_1 : i32 to index
    %get3A_2 = memref.load %arg1[%get3A] : memref<1024xi32, #tpu.memory_space<smem>>
    %jit3A = arith.constant 128 : i32
    %div3A = arith.divsi %get3A_2, %jit3A : i32
    %sign3A = arith.constant 0 : i32
    %sign3A_3 = arith.cmpi sgt, %get3A_2, %sign3A : i32
    %sign3A_4 = arith.extui %sign3A_3 : i1 to i32
    %sign3A_5 = arith.constant 0 : i32
    %sign3A_6 = arith.cmpi slt, %get3A_2, %sign3A_5 : i32
    %sign3A_7 = arith.extui %sign3A_6 : i1 to i32
    %sign3A_8 = arith.subi %sign3A_4, %sign3A_7 : i32
    %sign3A_9 = arith.constant 0 : i32
    %sign3A_10 = arith.cmpi sgt, %jit3A, %sign3A_9 : i32
    %sign3A_11 = arith.extui %sign3A_10 : i1 to i32
    %sign3A_12 = arith.constant 0 : i32
    %sign3A_13 = arith.cmpi slt, %jit3A, %sign3A_12 : i32
    %sign3A_14 = arith.extui %sign3A_13 : i1 to i32
    %sign3A_15 = arith.subi %sign3A_11, %sign3A_14 : i32
    %ne3A = arith.cmpi ne, %sign3A_8, %sign3A_15 : i32
    %rem3A = arith.remsi %get3A_2, %jit3A : i32
    %ne3A_16 = arith.constant 0 : i32
    %ne3A_17 = arith.cmpi ne, %rem3A, %ne3A_16 : i32
    %and3A = arith.andi %ne3A, %ne3A_17 : i1
    %sub3A = arith.constant 1 : i32
    %sub3A_18 = arith.subi %div3A, %sub3A : i32
    %select_n3A = arith.select %and3A, %sub3A_18, %div3A : i32
    %c0_i32 = arith.constant 0 : i32
    %c0_i32_19 = arith.constant 0 : i32
    return %c0_i32, %select_n3A : i32, i32
  }
  func.func @transform_13(%arg0: i32, %arg1: memref<1024xi32, #tpu.memory_space<smem>>) -> (i32, i32) {
    %mul3A = arith.constant 16 : i32
    %mul3A_0 = arith.muli %mul3A, %arg0 : i32
    %add3A = arith.constant 13 : i32
    %add3A_1 = arith.addi %mul3A_0, %add3A : i32
    %get3A = arith.index_cast %add3A_1 : i32 to index
    %get3A_2 = memref.load %arg1[%get3A] : memref<1024xi32, #tpu.memory_space<smem>>
    %jit3A = arith.constant 128 : i32
    %div3A = arith.divsi %get3A_2, %jit3A : i32
    %sign3A = arith.constant 0 : i32
    %sign3A_3 = arith.cmpi sgt, %get3A_2, %sign3A : i32
    %sign3A_4 = arith.extui %sign3A_3 : i1 to i32
    %sign3A_5 = arith.constant 0 : i32
    %sign3A_6 = arith.cmpi slt, %get3A_2, %sign3A_5 : i32
    %sign3A_7 = arith.extui %sign3A_6 : i1 to i32
    %sign3A_8 = arith.subi %sign3A_4, %sign3A_7 : i32
    %sign3A_9 = arith.constant 0 : i32
    %sign3A_10 = arith.cmpi sgt, %jit3A, %sign3A_9 : i32
    %sign3A_11 = arith.extui %sign3A_10 : i1 to i32
    %sign3A_12 = arith.constant 0 : i32
    %sign3A_13 = arith.cmpi slt, %jit3A, %sign3A_12 : i32
    %sign3A_14 = arith.extui %sign3A_13 : i1 to i32
    %sign3A_15 = arith.subi %sign3A_11, %sign3A_14 : i32
    %ne3A = arith.cmpi ne, %sign3A_8, %sign3A_15 : i32
    %rem3A = arith.remsi %get3A_2, %jit3A : i32
    %ne3A_16 = arith.constant 0 : i32
    %ne3A_17 = arith.cmpi ne, %rem3A, %ne3A_16 : i32
    %and3A = arith.andi %ne3A, %ne3A_17 : i1
    %sub3A = arith.constant 1 : i32
    %sub3A_18 = arith.subi %div3A, %sub3A : i32
    %select_n3A = arith.select %and3A, %sub3A_18, %div3A : i32
    %c0_i32 = arith.constant 0 : i32
    %c0_i32_19 = arith.constant 0 : i32
    return %c0_i32, %select_n3A : i32, i32
  }
  func.func @transform_14(%arg0: i32, %arg1: memref<1024xi32, #tpu.memory_space<smem>>) -> (i32, i32) {
    %mul3A = arith.constant 16 : i32
    %mul3A_0 = arith.muli %mul3A, %arg0 : i32
    %add3A = arith.constant 14 : i32
    %add3A_1 = arith.addi %mul3A_0, %add3A : i32
    %get3A = arith.index_cast %add3A_1 : i32 to index
    %get3A_2 = memref.load %arg1[%get3A] : memref<1024xi32, #tpu.memory_space<smem>>
    %jit3A = arith.constant 128 : i32
    %div3A = arith.divsi %get3A_2, %jit3A : i32
    %sign3A = arith.constant 0 : i32
    %sign3A_3 = arith.cmpi sgt, %get3A_2, %sign3A : i32
    %sign3A_4 = arith.extui %sign3A_3 : i1 to i32
    %sign3A_5 = arith.constant 0 : i32
    %sign3A_6 = arith.cmpi slt, %get3A_2, %sign3A_5 : i32
    %sign3A_7 = arith.extui %sign3A_6 : i1 to i32
    %sign3A_8 = arith.subi %sign3A_4, %sign3A_7 : i32
    %sign3A_9 = arith.constant 0 : i32
    %sign3A_10 = arith.cmpi sgt, %jit3A, %sign3A_9 : i32
    %sign3A_11 = arith.extui %sign3A_10 : i1 to i32
    %sign3A_12 = arith.constant 0 : i32
    %sign3A_13 = arith.cmpi slt, %jit3A, %sign3A_12 : i32
    %sign3A_14 = arith.extui %sign3A_13 : i1 to i32
    %sign3A_15 = arith.subi %sign3A_11, %sign3A_14 : i32
    %ne3A = arith.cmpi ne, %sign3A_8, %sign3A_15 : i32
    %rem3A = arith.remsi %get3A_2, %jit3A : i32
    %ne3A_16 = arith.constant 0 : i32
    %ne3A_17 = arith.cmpi ne, %rem3A, %ne3A_16 : i32
    %and3A = arith.andi %ne3A, %ne3A_17 : i1
    %sub3A = arith.constant 1 : i32
    %sub3A_18 = arith.subi %div3A, %sub3A : i32
    %select_n3A = arith.select %and3A, %sub3A_18, %div3A : i32
    %c0_i32 = arith.constant 0 : i32
    %c0_i32_19 = arith.constant 0 : i32
    return %c0_i32, %select_n3A : i32, i32
  }
  func.func @transform_15(%arg0: i32, %arg1: memref<1024xi32, #tpu.memory_space<smem>>) -> (i32, i32) {
    %mul3A = arith.constant 16 : i32
    %mul3A_0 = arith.muli %mul3A, %arg0 : i32
    %add3A = arith.constant 15 : i32
    %add3A_1 = arith.addi %mul3A_0, %add3A : i32
    %get3A = arith.index_cast %add3A_1 : i32 to index
    %get3A_2 = memref.load %arg1[%get3A] : memref<1024xi32, #tpu.memory_space<smem>>
    %jit3A = arith.constant 128 : i32
    %div3A = arith.divsi %get3A_2, %jit3A : i32
    %sign3A = arith.constant 0 : i32
    %sign3A_3 = arith.cmpi sgt, %get3A_2, %sign3A : i32
    %sign3A_4 = arith.extui %sign3A_3 : i1 to i32
    %sign3A_5 = arith.constant 0 : i32
    %sign3A_6 = arith.cmpi slt, %get3A_2, %sign3A_5 : i32
    %sign3A_7 = arith.extui %sign3A_6 : i1 to i32
    %sign3A_8 = arith.subi %sign3A_4, %sign3A_7 : i32
    %sign3A_9 = arith.constant 0 : i32
    %sign3A_10 = arith.cmpi sgt, %jit3A, %sign3A_9 : i32
    %sign3A_11 = arith.extui %sign3A_10 : i1 to i32
    %sign3A_12 = arith.constant 0 : i32
    %sign3A_13 = arith.cmpi slt, %jit3A, %sign3A_12 : i32
    %sign3A_14 = arith.extui %sign3A_13 : i1 to i32
    %sign3A_15 = arith.subi %sign3A_11, %sign3A_14 : i32
    %ne3A = arith.cmpi ne, %sign3A_8, %sign3A_15 : i32
    %rem3A = arith.remsi %get3A_2, %jit3A : i32
    %ne3A_16 = arith.constant 0 : i32
    %ne3A_17 = arith.cmpi ne, %rem3A, %ne3A_16 : i32
    %and3A = arith.andi %ne3A, %ne3A_17 : i1
    %sub3A = arith.constant 1 : i32
    %sub3A_18 = arith.subi %div3A, %sub3A : i32
    %select_n3A = arith.select %and3A, %sub3A_18, %div3A : i32
    %c0_i32 = arith.constant 0 : i32
    %c0_i32_19 = arith.constant 0 : i32
    return %c0_i32, %select_n3A : i32, i32
  }
  func.func @transform_16(%arg0: i32, %arg1: memref<1024xi32, #tpu.memory_space<smem>>) -> (i32, i32, i32) {
    %mul3A = arith.constant 16 : i32
    %mul3A_0 = arith.muli %mul3A, %arg0 : i32
    %add3A = arith.constant 0 : i32
    %add3A_1 = arith.addi %mul3A_0, %add3A : i32
    %get3A = arith.index_cast %add3A_1 : i32 to index
    %get3A_2 = memref.load %arg1[%get3A] : memref<1024xi32, #tpu.memory_space<smem>>
    %c0_i32 = arith.constant 0 : i32
    %c0_i32_3 = arith.constant 0 : i32
    %c0_i32_4 = arith.constant 0 : i32
    return %get3A_2, %c0_i32, %c0_i32_3 : i32, i32, i32
  }
  func.func @transform_17(%arg0: i32, %arg1: memref<1024xi32, #tpu.memory_space<smem>>) -> (i32, i32, i32) {
    %mul3A = arith.constant 16 : i32
    %mul3A_0 = arith.muli %mul3A, %arg0 : i32
    %add3A = arith.constant 1 : i32
    %add3A_1 = arith.addi %mul3A_0, %add3A : i32
    %get3A = arith.index_cast %add3A_1 : i32 to index
    %get3A_2 = memref.load %arg1[%get3A] : memref<1024xi32, #tpu.memory_space<smem>>
    %c0_i32 = arith.constant 0 : i32
    %c0_i32_3 = arith.constant 0 : i32
    %c0_i32_4 = arith.constant 0 : i32
    return %get3A_2, %c0_i32, %c0_i32_3 : i32, i32, i32
  }
  func.func @transform_18(%arg0: i32, %arg1: memref<1024xi32, #tpu.memory_space<smem>>) -> (i32, i32, i32) {
    %mul3A = arith.constant 16 : i32
    %mul3A_0 = arith.muli %mul3A, %arg0 : i32
    %add3A = arith.constant 2 : i32
    %add3A_1 = arith.addi %mul3A_0, %add3A : i32
    %get3A = arith.index_cast %add3A_1 : i32 to index
    %get3A_2 = memref.load %arg1[%get3A] : memref<1024xi32, #tpu.memory_space<smem>>
    %c0_i32 = arith.constant 0 : i32
    %c0_i32_3 = arith.constant 0 : i32
    %c0_i32_4 = arith.constant 0 : i32
    return %get3A_2, %c0_i32, %c0_i32_3 : i32, i32, i32
  }
  func.func @transform_19(%arg0: i32, %arg1: memref<1024xi32, #tpu.memory_space<smem>>) -> (i32, i32, i32) {
    %mul3A = arith.constant 16 : i32
    %mul3A_0 = arith.muli %mul3A, %arg0 : i32
    %add3A = arith.constant 3 : i32
    %add3A_1 = arith.addi %mul3A_0, %add3A : i32
    %get3A = arith.index_cast %add3A_1 : i32 to index
    %get3A_2 = memref.load %arg1[%get3A] : memref<1024xi32, #tpu.memory_space<smem>>
    %c0_i32 = arith.constant 0 : i32
    %c0_i32_3 = arith.constant 0 : i32
    %c0_i32_4 = arith.constant 0 : i32
    return %get3A_2, %c0_i32, %c0_i32_3 : i32, i32, i32
  }
  func.func @transform_20(%arg0: i32, %arg1: memref<1024xi32, #tpu.memory_space<smem>>) -> (i32, i32, i32) {
    %mul3A = arith.constant 16 : i32
    %mul3A_0 = arith.muli %mul3A, %arg0 : i32
    %add3A = arith.constant 4 : i32
    %add3A_1 = arith.addi %mul3A_0, %add3A : i32
    %get3A = arith.index_cast %add3A_1 : i32 to index
    %get3A_2 = memref.load %arg1[%get3A] : memref<1024xi32, #tpu.memory_space<smem>>
    %c0_i32 = arith.constant 0 : i32
    %c0_i32_3 = arith.constant 0 : i32
    %c0_i32_4 = arith.constant 0 : i32
    return %get3A_2, %c0_i32, %c0_i32_3 : i32, i32, i32
  }
  func.func @transform_21(%arg0: i32, %arg1: memref<1024xi32, #tpu.memory_space<smem>>) -> (i32, i32, i32) {
    %mul3A = arith.constant 16 : i32
    %mul3A_0 = arith.muli %mul3A, %arg0 : i32
    %add3A = arith.constant 5 : i32
    %add3A_1 = arith.addi %mul3A_0, %add3A : i32
    %get3A = arith.index_cast %add3A_1 : i32 to index
    %get3A_2 = memref.load %arg1[%get3A] : memref<1024xi32, #tpu.memory_space<smem>>
    %c0_i32 = arith.constant 0 : i32
    %c0_i32_3 = arith.constant 0 : i32
    %c0_i32_4 = arith.constant 0 : i32
    return %get3A_2, %c0_i32, %c0_i32_3 : i32, i32, i32
  }
  func.func @transform_22(%arg0: i32, %arg1: memref<1024xi32, #tpu.memory_space<smem>>) -> (i32, i32, i32) {
    %mul3A = arith.constant 16 : i32
    %mul3A_0 = arith.muli %mul3A, %arg0 : i32
    %add3A = arith.constant 6 : i32
    %add3A_1 = arith.addi %mul3A_0, %add3A : i32
    %get3A = arith.index_cast %add3A_1 : i32 to index
    %get3A_2 = memref.load %arg1[%get3A] : memref<1024xi32, #tpu.memory_space<smem>>
    %c0_i32 = arith.constant 0 : i32
    %c0_i32_3 = arith.constant 0 : i32
    %c0_i32_4 = arith.constant 0 : i32
    return %get3A_2, %c0_i32, %c0_i32_3 : i32, i32, i32
  }
  func.func @transform_23(%arg0: i32, %arg1: memref<1024xi32, #tpu.memory_space<smem>>) -> (i32, i32, i32) {
    %mul3A = arith.constant 16 : i32
    %mul3A_0 = arith.muli %mul3A, %arg0 : i32
    %add3A = arith.constant 7 : i32
    %add3A_1 = arith.addi %mul3A_0, %add3A : i32
    %get3A = arith.index_cast %add3A_1 : i32 to index
    %get3A_2 = memref.load %arg1[%get3A] : memref<1024xi32, #tpu.memory_space<smem>>
    %c0_i32 = arith.constant 0 : i32
    %c0_i32_3 = arith.constant 0 : i32
    %c0_i32_4 = arith.constant 0 : i32
    return %get3A_2, %c0_i32, %c0_i32_3 : i32, i32, i32
  }
  func.func @transform_24(%arg0: i32, %arg1: memref<1024xi32, #tpu.memory_space<smem>>) -> (i32, i32, i32) {
    %mul3A = arith.constant 16 : i32
    %mul3A_0 = arith.muli %mul3A, %arg0 : i32
    %add3A = arith.constant 8 : i32
    %add3A_1 = arith.addi %mul3A_0, %add3A : i32
    %get3A = arith.index_cast %add3A_1 : i32 to index
    %get3A_2 = memref.load %arg1[%get3A] : memref<1024xi32, #tpu.memory_space<smem>>
    %c0_i32 = arith.constant 0 : i32
    %c0_i32_3 = arith.constant 0 : i32
    %c0_i32_4 = arith.constant 0 : i32
    return %get3A_2, %c0_i32, %c0_i32_3 : i32, i32, i32
  }
  func.func @transform_25(%arg0: i32, %arg1: memref<1024xi32, #tpu.memory_space<smem>>) -> (i32, i32, i32) {
    %mul3A = arith.constant 16 : i32
    %mul3A_0 = arith.muli %mul3A, %arg0 : i32
    %add3A = arith.constant 9 : i32
    %add3A_1 = arith.addi %mul3A_0, %add3A : i32
    %get3A = arith.index_cast %add3A_1 : i32 to index
    %get3A_2 = memref.load %arg1[%get3A] : memref<1024xi32, #tpu.memory_space<smem>>
    %c0_i32 = arith.constant 0 : i32
    %c0_i32_3 = arith.constant 0 : i32
    %c0_i32_4 = arith.constant 0 : i32
    return %get3A_2, %c0_i32, %c0_i32_3 : i32, i32, i32
  }
  func.func @transform_26(%arg0: i32, %arg1: memref<1024xi32, #tpu.memory_space<smem>>) -> (i32, i32, i32) {
    %mul3A = arith.constant 16 : i32
    %mul3A_0 = arith.muli %mul3A, %arg0 : i32
    %add3A = arith.constant 10 : i32
    %add3A_1 = arith.addi %mul3A_0, %add3A : i32
    %get3A = arith.index_cast %add3A_1 : i32 to index
    %get3A_2 = memref.load %arg1[%get3A] : memref<1024xi32, #tpu.memory_space<smem>>
    %c0_i32 = arith.constant 0 : i32
    %c0_i32_3 = arith.constant 0 : i32
    %c0_i32_4 = arith.constant 0 : i32
    return %get3A_2, %c0_i32, %c0_i32_3 : i32, i32, i32
  }
  func.func @transform_27(%arg0: i32, %arg1: memref<1024xi32, #tpu.memory_space<smem>>) -> (i32, i32, i32) {
    %mul3A = arith.constant 16 : i32
    %mul3A_0 = arith.muli %mul3A, %arg0 : i32
    %add3A = arith.constant 11 : i32
    %add3A_1 = arith.addi %mul3A_0, %add3A : i32
    %get3A = arith.index_cast %add3A_1 : i32 to index
    %get3A_2 = memref.load %arg1[%get3A] : memref<1024xi32, #tpu.memory_space<smem>>
    %c0_i32 = arith.constant 0 : i32
    %c0_i32_3 = arith.constant 0 : i32
    %c0_i32_4 = arith.constant 0 : i32
    return %get3A_2, %c0_i32, %c0_i32_3 : i32, i32, i32
  }
  func.func @transform_28(%arg0: i32, %arg1: memref<1024xi32, #tpu.memory_space<smem>>) -> (i32, i32, i32) {
    %mul3A = arith.constant 16 : i32
    %mul3A_0 = arith.muli %mul3A, %arg0 : i32
    %add3A = arith.constant 12 : i32
    %add3A_1 = arith.addi %mul3A_0, %add3A : i32
    %get3A = arith.index_cast %add3A_1 : i32 to index
    %get3A_2 = memref.load %arg1[%get3A] : memref<1024xi32, #tpu.memory_space<smem>>
    %c0_i32 = arith.constant 0 : i32
    %c0_i32_3 = arith.constant 0 : i32
    %c0_i32_4 = arith.constant 0 : i32
    return %get3A_2, %c0_i32, %c0_i32_3 : i32, i32, i32
  }
  func.func @transform_29(%arg0: i32, %arg1: memref<1024xi32, #tpu.memory_space<smem>>) -> (i32, i32, i32) {
    %mul3A = arith.constant 16 : i32
    %mul3A_0 = arith.muli %mul3A, %arg0 : i32
    %add3A = arith.constant 13 : i32
    %add3A_1 = arith.addi %mul3A_0, %add3A : i32
    %get3A = arith.index_cast %add3A_1 : i32 to index
    %get3A_2 = memref.load %arg1[%get3A] : memref<1024xi32, #tpu.memory_space<smem>>
    %c0_i32 = arith.constant 0 : i32
    %c0_i32_3 = arith.constant 0 : i32
    %c0_i32_4 = arith.constant 0 : i32
    return %get3A_2, %c0_i32, %c0_i32_3 : i32, i32, i32
  }
  func.func @transform_30(%arg0: i32, %arg1: memref<1024xi32, #tpu.memory_space<smem>>) -> (i32, i32, i32) {
    %mul3A = arith.constant 16 : i32
    %mul3A_0 = arith.muli %mul3A, %arg0 : i32
    %add3A = arith.constant 14 : i32
    %add3A_1 = arith.addi %mul3A_0, %add3A : i32
    %get3A = arith.index_cast %add3A_1 : i32 to index
    %get3A_2 = memref.load %arg1[%get3A] : memref<1024xi32, #tpu.memory_space<smem>>
    %c0_i32 = arith.constant 0 : i32
    %c0_i32_3 = arith.constant 0 : i32
    %c0_i32_4 = arith.constant 0 : i32
    return %get3A_2, %c0_i32, %c0_i32_3 : i32, i32, i32
  }
  func.func @transform_31(%arg0: i32, %arg1: memref<1024xi32, #tpu.memory_space<smem>>) -> (i32, i32, i32) {
    %mul3A = arith.constant 16 : i32
    %mul3A_0 = arith.muli %mul3A, %arg0 : i32
    %add3A = arith.constant 15 : i32
    %add3A_1 = arith.addi %mul3A_0, %add3A : i32
    %get3A = arith.index_cast %add3A_1 : i32 to index
    %get3A_2 = memref.load %arg1[%get3A] : memref<1024xi32, #tpu.memory_space<smem>>
    %c0_i32 = arith.constant 0 : i32
    %c0_i32_3 = arith.constant 0 : i32
    %c0_i32_4 = arith.constant 0 : i32
    return %get3A_2, %c0_i32, %c0_i32_3 : i32, i32, i32
  }
  func.func @transform_32(%arg0: i32, %arg1: memref<1024xi32, #tpu.memory_space<smem>>) -> (i32, i32, i32) {
    %c0_i32 = arith.constant 0 : i32
    %c0_i32_0 = arith.constant 0 : i32
    %c0_i32_1 = arith.constant 0 : i32
    return %arg0, %c0_i32, %c0_i32_0 : i32, i32, i32
  }
}

</mosaic_0001>

<sc_bundles>
// kernel: kernel.4.cloned.1.call-start
scs
__scs_entry_jumppad:
0x0: {  	(pc) =	sbr.rel $0x88, $3  }
0x1: {  	(tag) =	ssettag $0x0;
	lr =	simm.s32 $0x1  }
0x2: {  	[smem:$0x3F99] =	sst lr;
	_ =	strace $0xD0000000  }
0x3: {  	_ = 	snop  }
0x4: {  	_ = 	snop  }
0x5: {  	_ = 	snop  }
0x6: {  	_ = 	snop  }
0x7: {  	_ = 	snop  }
__scs_overlays_trampoline_lowered:
0x8: {  	[smem:$0x3FA8] =	sst s0  }
0x9: {  	[smem:$0x3FA9] =	sst s1  }
0xa: {  	[smem:$0x3FAA] =	sst s2  }
0xb: {  	[smem:$0x3FAB] =	sst s3  }
0xc: {  	[smem:$0x3FAC] =	sst s4  }
0xd: {  	[smem:$0x3FAD] =	sst s5  }
0xe: {  	[smem:$0x3FAE] =	sst s6  }
0xf: {  	[smem:$0x3FAF] =	sst s7  }
0x10: {  	[smem:$0x3FB0] =	sst s8  }
0x11: {  	[smem:$0x3FB1] =	sst s9;
	s0 =	simm.s32 @!p0 $0x0  }
0x12: {  	s1 =	sld [smem:$0x3F97];
	s0 =	simm.s32 @p0 $0x1  }
0x13: {  	[smem:$0x3FB2] =	sst s0;
	s0 =	simm.s32 @!p1 $0x0  }
0x14: {  	s2 =	sld [smem:$0x3F96];
	s0 =	simm.s32 @p1 $0x1  }
0x15: {  	[smem:$0x3FB3] =	sst s0;
	s0 =	simm.s32 @!p2 $0x0  }
0x16: {  	s3 =	sld [smem:$0x3FDB];
	s0 =	simm.s32 @p2 $0x1  }
0x17: {  	s4 =	simm.s32 $0x1BF5;
	[smem:$0x3FB5] =	sst s0  }
0x18: {  	s0 =	sld [smem:$0x3F98];
	_ =	swait.ge [sflag:s4], $0x0  }
0x19: {  	s7 =	sld [smem:$0x3F99]  }
0x1a: {  	s8 =	sadd.s32 $0xFFFFE003, lr  }
0x1b: {  	s9 =	sadd.s32 $0xFFFFFEF7, lr;
	s5 =	simm.s32 $0xFFFFFFFF;
	p2 =	slt.u32 s8, $0xFFFFF086  }
0x1c: {  	p1 =	slt.u32 s9, $0xF7A;
	s5 =	simm.s32 @!p2 $0x0  }
0x1d: {  	s5 =	simm.s32 @p1 $0x1;
	p0 =	seq.s32 s7, s2  }
0x1e: {  	s7 =	smul.u32 @!p0 $0xF7A, s2;
	p2 =	seq.s32 @!p0 s5, $0x0  }
0x1f: {  	s9 =	smul.u32 $0xF7A, s1;
	s8 =	simm.s32 @!p0 $0x1BF5;
	p2 =	por !p2, p0  }
0x20: {  	[sflag:s8] =	ssyncset.s32 @!p0 $0xFFFFF086;
	s6 =	sadd.s32 @!p0 s3, s7;
	s7 =	simm.s32 @!p0 $0x108  }
0x21: {  	s3 =	sadd.s32 s3, s9;
	s6 =	sadd.s32 @!p0 $0x88, s6;
	s7 =	simm.s32 @p2 $0x1082  }
0x22: {  	[simem:s7], [sflag:s8] =	dma.local @!p0 [hbm:s6], $0xF7A  }
0x23: {  	s9 =	sor.u32 $0xD0000000, s2;
	s6 =	simm.s32 $0x108;
	_ =	swait.ge @!p0 [sflag:s8], $0x0  }
0x24: {  	s3 =	sadd.s32 $0x88, s3;
	s6 =	simm.s32 @!p1 $0x1082;
	[sflag:s4] =	ssyncset.s32 $0xFFFFF086  }
0x25: {  	[simem:s6], [sflag:s4] =	dma.local [hbm:s3], $0xF7A  }
0x26: {  	[smem:$0x3F99] =	sst s1;
	(tag) =	ssettag s2;
	_ =	strace s9  }
0x27: {  	s1 =	sld [smem:$0x3FA9]  }
0x28: {  	s2 =	sld [smem:$0x3FAA]  }
0x29: {  	s4 =	sld [smem:$0x3FAC]  }
0x2a: {  	p0 =	seq.s32 s5, $0x0;
	s5 =	sld [smem:$0x3FAD]  }
0x2b: {  	s6 =	sld [smem:$0x3FAE]  }
0x2c: {  	s7 =	sld [smem:$0x3FAF]  }
0x2d: {  	s3 =	simm.s32 $0x108;
	s8 =	sld [smem:$0x3FB0]  }
0x2e: {  	s3 =	simm.s32 @!p0 $0x1082;
	s9 =	sld [smem:$0x3FB1]  }
0x2f: {  	lr =	sadd.s32 s0, s3;
	s0 =	sld [smem:$0x3FA8]  }
0x30: {  	s3 =	sld [smem:$0x3FAB]  }
0x31: {  	[smem:$0x3FB4] =	sst s10  }
0x32: {  	s10 =	sld [smem:$0x3FB2];
	_ =	sdelay $0x3  }
0x33: {  	p0 =	seq.s32 s10, $0x1;
	s10 =	sld [smem:$0x3FB4];
	_ =	sdelay $0x3  }
0x34: {  	[smem:$0x3FB4] =	sst s10  }
0x35: {  	s10 =	sld [smem:$0x3FB3];
	_ =	sdelay $0x3  }
0x36: {  	p1 =	seq.s32 s10, $0x1;
	s10 =	sld [smem:$0x3FB4];
	_ =	sdelay $0x3  }
0x37: {  	[smem:$0x3FB4] =	sst s10  }
0x38: {  	s10 =	sld [smem:$0x3FB5]  }
0x39: {  	_ = 	snop;
	(pc) =	sbr.ind lr, $3  }
0x3a: {  	_ = 	snop  }
0x3b: {  	_ = 	snop  }
0x3c: {  	p2 =	seq.s32 s10, $0x1;
	s10 =	sld [smem:$0x3FB4]  }
0x3d: {  	_ =	shalt  }
0x3e: {  	_ =	shalt  }
0x3f: {  	_ =	shalt  }
0x40: {  	_ =	shalt  }
0x41: {  	_ =	shalt  }
0x42: {  	_ =	shalt  }
0x43: {  	_ =	shalt  }
0x44: {  	_ =	shalt  }
0x45: {  	_ =	shalt  }
0x46: {  	_ =	shalt  }
0x47: {  	_ =	shalt  }
0x48: {  	_ =	shalt  }
0x49: {  	_ =	shalt  }
0x4a: {  	_ =	shalt  }
0x4b: {  	_ =	shalt  }
0x4c: {  	_ =	shalt  }
0x4d: {  	_ =	shalt  }
0x4e: {  	_ =	shalt  }
0x4f: {  	_ =	shalt  }
0x50: {  	_ =	shalt  }
0x51: {  	_ =	shalt  }
0x52: {  	_ =	shalt  }
0x53: {  	_ =	shalt  }
0x54: {  	_ =	shalt  }
0x55: {  	_ =	shalt  }
0x56: {  	_ =	shalt  }
0x57: {  	_ =	shalt  }
0x58: {  	_ =	shalt  }
0x59: {  	_ =	shalt  }
0x5a: {  	_ =	shalt  }
0x5b: {  	_ =	shalt  }
0x5c: {  	_ =	shalt  }
0x5d: {  	_ =	shalt  }
0x5e: {  	_ =	shalt  }
0x5f: {  	_ =	shalt  }
0x60: {  	_ =	shalt  }
0x61: {  	_ =	shalt  }
0x62: {  	_ =	shalt  }
0x63: {  	_ =	shalt  }
0x64: {  	_ =	shalt  }
0x65: {  	_ =	shalt  }
0x66: {  	_ =	shalt  }
0x67: {  	_ =	shalt  }
0x68: {  	_ =	shalt  }
0x69: {  	_ =	shalt  }
0x6a: {  	_ =	shalt  }
0x6b: {  	_ =	shalt  }
0x6c: {  	_ =	shalt  }
0x6d: {  	_ =	shalt  }
0x6e: {  	_ =	shalt  }
0x6f: {  	_ =	shalt  }
0x70: {  	_ =	shalt  }
0x71: {  	_ =	shalt  }
0x72: {  	_ =	shalt  }
0x73: {  	_ =	shalt  }
0x74: {  	_ =	shalt  }
0x75: {  	_ =	shalt  }
0x76: {  	_ =	shalt  }
0x77: {  	_ =	shalt  }
0x78: {  	_ =	shalt  }
0x79: {  	_ =	shalt  }
0x7a: {  	_ =	shalt  }
0x7b: {  	_ =	shalt  }
0x7c: {  	_ =	shalt  }
0x7d: {  	_ =	shalt  }
0x7e: {  	_ =	shalt  }
0x7f: {  	_ =	shalt  }
0x80: {  	_ =	shalt  }
0x81: {  	_ =	shalt  }
0x82: {  	_ =	shalt  }
0x83: {  	_ =	shalt  }
0x84: {  	_ =	shalt  }
0x85: {  	_ =	shalt  }
0x86: {  	_ =	shalt  }
0x87: {  	_ =	shalt  }
.Lfunc_end0:
.L_simem_size_0:
called_computation_lowered:
.L_overlay_start_0:
0x88: {  	s2 =	sld [smem:$0x3FD9]  }
0x89: {  	s3 =	sld [smem:$0x3FFE];
	_ =	sdelay $0x1  }
0x8a: {  	s1 =	srdreg.scid  }
0x8b: {  	s0 =	sand.u32 $0x1, s1  }
0x8c: {  	s17 =	sshll.u32 s0, $0xA;
	s2 =	sadd.s32 s3, s2  }
0x8d: {  	s2 =	sadd.s32 s2, s17  }
0x8e: {  	[smem:$0x3FC0] =	sst s2  }
0x8f: {  	_ = 	snop  }
0x90: {  	s2 =	sld [smem:$0x3FC4]  }
0x91: {  	s18 =	sld [smem:$0x3FC3]  }
0x92: {  	s4 =	sld [smem:$0x3FD0];
	(tm) =	ssettm $0x1  }
0x93: {  	s5 =	sld [smem:$0x3FFB];
	_ =	sdelay $0x3  }
0x94: {  	_ =	strace s5  }
0x95: {  	s5 =	sld [smem:$0x3FFC];
	_ =	sdelay $0x3  }
0x96: {  	_ =	strace s5  }
0x97: {  	s5 =	sld [smem:$0x3FFD];
	_ =	sdelay $0x3  }
0x98: {  	_ =	strace s5  }
0x99: {  	_ =	strace $0x8FFFFFFF  }
0x9a: {  	s19 =	sld [smem:$0x3FDB];
	_ =	sdelay $0x1  }
0x9b: {  	s6 =	simm.s32 $_scs_section_size  }
0x9c: {  	s7 =	simm.s32 $_size__tile_overlayer_lowered;
	s8 =	simm.s32 $_tile_overlayer_lowered  }
0x9d: {  	s22 =	simm.s32 $0x1BFF;
	s21 =	sshll.u32 s8, $0x1;
	s5 =	sadd.s32 s6, s19  }
0x9e: {  	s9 =	simm.s32 $0x0;
	s20 =	sshll.u32 s7, $0x1;
	s7 =	sadd.s32 s21, s5  }
0x9f: {  	[timem:s9], [sflag:s22] =	dma.local [hbm:s7], s20  }
0xa0: {  	_ =	swait.ge [sflag:s22], s20  }
0xa1: {  	s6 =	ssub.s32 $0x0, s20;
	[sflag:s22] =	ssyncset.done $0x0  }
0xa2: {  	[sflag:s22] =	ssyncadd.s32 s6;
	_ =	sdelay $0x1  }
0xa3: {  	s23 =	simm.s32 $0x1B8B  }
0xa4: {  	_ =	swait.ge [sflag:s23], $0x1  }
0xa5: {  	[sflag:s23] =	ssyncset.done $0x0  }
0xa6: {  	s25 =	simm.s32 $0x1B8E;
	s24 =	sld [smem:$0x3FFE];
	[sflag:s23] =	ssyncadd.s32 $0xFFFFFFFF  }
0xa7: {  	s26 =	simm.s32 $execute0_lowered;
	[smem:$0x3FD2] =	sst s25  }
0xa8: {  	s7 =	sshll.u32 s26, $0x1;
	_ =	strace $0x80000046;
	[dreg:$0x1] =	wrdreg $0xFFFFFFFF  }
0xa9: {  	s28 =	simm.s32 $_size_execute0_lowered;
	s5 =	sadd.s32 s5, s7;
	[dreg:$0x0] =	wrdreg $0x0  }
0xaa: {  	s7 =	sshll.u32 s28, $0x1;
	[dreg:$0x2] =	wrdreg s5  }
0xab: {  	[dreg:$0x3] =	wrdreg s7  }
0xac: {  	[dreg:$0x4] =	wrdreg $0xC0  }
0xad: {  	_ =	task [dreg:s9], $0x5FFFF  }
0xae: {  	[dreg:$0x1] =	wrdreg $0xFFFFFFFF  }
0xaf: {  	[dreg:$0x0] =	wrdreg $0x60  }
0xb0: {  	[dreg:$0x2] =	wrdreg s4  }
0xb1: {  	[dreg:$0x3] =	wrdreg s24  }
0xb2: {  	[dreg:$0x4] =	wrdreg s2  }
0xb3: {  	[dreg:$0x5] =	wrdreg s18  }
0xb4: {  	[dreg:$0x6] =	wrdreg $0x30000  }
0xb5: {  	[dreg:$0x7] =	wrdreg $0x9  }
0xb6: {  	_ =	task.clear_ibuf [dreg:s9], $0x8FFFF;
	_ =	strace $0x90000046  }
0xb7: {  	s29 =	simm.s32 $0x9;
	_ =	strace $0x80000048  }
0xb8: {  	_ =	swait.ge [sflag:s29], $0x1  }
0xb9: {  	[sflag:s29] =	ssyncadd.s32 $0xFFFFFFFF  }
0xba: {  	_ =	strace $0x90000048  }
0xbb: {  	_ =	sfence  }
0xbc: {  	s30 =	sld [smem:$0x0];
	_ =	sdelay $0x2  }
0xbd: {  	s31 =	sshll.u32 s1, $0xD;
	s1 =	sshrl.u32 s1, $0x2  }
0xbe: {  	s3 =	sand.u32 $0x4000, s31;
	s1 =	sadd.s32 s1, s30  }
0xbf: {  	s0 =	sor.u32 s3, s0;
	s1 =	sshll.u32 s1, $0x11  }
0xc0: {  	s0 =	sor.u32 s1, s0  }
0xc1: {  	s0 =	sadd.s32 $0x8F2B, s0  }
0xc2: {  	[sflag:s0] =	ssyncadd.remote.s32 $0x1  }
0xc3: {  	_ =	sfence.sel $0xFFFF  }
0xc4: {  	[dreg:$0x0] =	wrdreg $0xFFFFFFFF;
	(pc) =	sbr.abs _section_cstart, $3  }
0xc5: {  	[dreg:$0x1] =	wrdreg $0xFFFFFFFF  }
0xc6: {  	_ =	task.clear_ibuf [dreg:s9], $0x2FFFF;
	_ =	strace $0x9FFFFFFF  }
0xc7: {  	(tm) =	ssettm $0x7FFFFFFF  }
tec
execute0_lowered:
.L_overlay_start_1:
0x0: {  	(tag) =	ssettag $0x1  }
0x1: {  	s9 =	rddreg [dreg:$0x0]  }
0x2: {  	s5 =	rddreg [dreg:$0x1]  }
0x3: {  	s1 =	rddreg [dreg:$0x2]  }
0x4: {  	s2 =	rddreg [dreg:$0x3]  }
0x5: {  	s3 =	rddreg [dreg:$0x4]  }
0x6: {  	s0 =	rddreg [dreg:$0x5];
	s4 =	simm.s32 $0x0  }
0x7: {  	s6 =	srdreg.scid;
	s14 =	simm.s32 $0x2;
	s15 =	simm.s32 $0x1000  }
0x8: {  	s16 =	simm.s32 $0x1800;
	s17 =	simm.s32 $0x7D0;
	s18 =	simm.s32 $0x2000  }
0x9: {  	s19 =	simm.s32 $0x2800;
	s20 =	simm.s32 $0x1;
	s21 =	simm.s32 $0x0  }
0xa: {  	[smem:$0x7FF] =	sst s4;
	s8 =	sand.u32 $0x1, s6;
	s6 =	sadd.s32 $0x658800, s5  }
0xb: {  	s7 =	sadd.s32 $0x3E000, s5;
	s5 =	stileid.u32;
	_ =	strace $0x80000047  }
0xc: {  	s10 =	ssub.s32 $0x2, s8;
	s26 =	sshll.u32 s5, $0x1;
	s28 =	sshll.u32 s5, $0x10  }
0xd: {  	s29 =	sshll.u32 s5, $0xD;
	s30 =	sshll.u32 s5, $0x6;
	s11 =	sshrl.u32 s10, $0x1  }
0xe: {  	s13 =	sadd.s32 s28, s3;
	s8 =	sor.u32 s26, s8;
	s9 =	sadd.s32 s9, s29  }
0xf: {  	s12 =	ssub.s32 s10, s11;
	s31 =	ssub.s32 $0x213, s8;
	s10 =	sor.u32 $0x1C02, s30  }
0x10: {  	s13 =	sshrl.u32 s13, $0x3;
	s11 =	sshrl.u32 s31, $0x5;
	s12 =	smax.u32 s12, $0x1  }
.LBB2_1:
0x11: {  	[spmem:s13], [sflag:s10] =	dma.local [hbm:s9], $0x2000  }
0x12: {  	_ =	swait.ge [sflag:s14], $0x2000  }
0x13: {  	[sflag:s14] =	ssyncset.done $0x0  }
0x14: {  	[sflag:s14] =	ssyncadd.s32 $0xFFFFE000  }
0x15: {  	[tilespmem:s4], [sflag:$0x2] =	stream.linear.gather [hbm4b:s2+s4], $0x1000, $0x38;
	[tilespmem:$0x13000] =	vst v63  }
0x16: {  	_ =	swait.ge [sflag:s14], $0x1000  }
0x17: {  	[sflag:s14] =	ssyncset.done $0x0  }
0x18: {  	[sflag:s14] =	ssyncadd.s32 $0xFFFFF000  }
0x19: {  	s22 =	simm.s32 $0x0;
	[bflag:$0x0] =	sbarrier.arrive $0xFFFF  }
.LBB2_2:
0x1a: {  	s23 =	sshll.u32 s22, $0x5  }
0x1b: {  	s23 =	sor.u32 s8, s23  }
0x1c: {  	s23 =	smul.u32 $0x7D0, s23;
	_ =	sdelay $0x1  }
0x1d: {  	s23 =	sshrl.u32 s23, $0x3  }
0x1e: {  	s25 =	simm.s32 $0x0;
	s24 =	sadd.s32 s6, s23  }
0x1f: {  	[tilespmem:s15], [sflag:$0x2] =	stream.linear.gather [hbm4b:s24+s25], $0x7D0, $0x38;
	[tilespmem:$0x13000] =	vst v63  }
0x20: {  	_ =	swait.ge [sflag:s14], $0x7D0  }
0x21: {  	[sflag:s14] =	ssyncset.done $0x0  }
0x22: {  	s31 =	sadd.s32 s1, s23;
	[sflag:s14] =	ssyncadd.s32 $0xFFFFF830  }
0x23: {  	[tilespmem:s16], [sflag:$0x2] =	stream.linear.gather [hbm4b:s31+s25], $0x7D0, $0x38;
	[tilespmem:$0x13000] =	vst v63  }
0x24: {  	_ =	swait.ge [sflag:s14], $0x7D0  }
0x25: {  	[sflag:s14] =	ssyncset.done $0x0  }
0x26: {  	s25 =	simm.s32 $0x0;
	[sflag:s14] =	ssyncadd.s32 $0xFFFFF830  }
0x27: {  	v0 =	vld [tilespmem:s25+$0x1800];
	_ =	sdelay $0x7  }
0x28: {  	s26 =	simm.s32 $0x80;
	s24 =	simm.s32 $0x10;
	v0 =	vld.idx.msk [tilespmem:v0+s4+$0x0], $0xffff  }
.LBB2_3:
0x29: {  	p0 =	sne.s32 s26, $0x1F00;
	v1 =	vld [tilespmem:s24+$0x1800]  }
0x2a: {  	v2 =	vld [tilespmem:s25+$0x1000];
	_ =	sdelay $0x2  }
.Ltmp0:
0x2b: {  	(pc) =	sbr.rel @p0 .LBB2_3-.Ltmp0, $4  }
0x2c: {  	v0 =	vshll.u32 v0, $0x7  }
0x2d: {  	v0 =	vadd.s32 v2, v0  }
0x2e: {  	[tilespmem:s25+$0x2000] =	vst v0;
	s25 =	smov.u32 s24  }
0x2f: {  	s24 =	sshra.s32 s26, $0x2;
	s26 =	sadd.s32 $0x40, s26;
	v0 =	vld.idx.msk [tilespmem:v1+s4+$0x0], $0xffff  }
0x30: {  	v1 =	vld [tilespmem:s24+$0x1800]  }
0x31: {  	v2 =	vld [tilespmem:s25+$0x1000];
	_ =	sdelay $0x3  }
0x32: {  	v0 =	vshll.u32 v0, $0x7  }
0x33: {  	v0 =	vadd.s32 v2, v0  }
0x34: {  	[tilespmem:s25+$0x2000] =	vst v0  }
0x35: {  	v0 =	vld.idx.msk [tilespmem:v1+s4+$0x0], $0xffff  }
0x36: {  	v63 =	vld [tilespmem:s24+$0x1000];
	_ =	sdelay $0x3  }
0x37: {  	v0 =	vshll.u32 v0, $0x7  }
0x38: {  	v0 =	vadd.s32 v63, v0  }
0x39: {  	[tilespmem:s24+$0x2000] =	vst v0  }
0x3a: {  	[tilespmem:s19], [sflag:$0x1] =	stream.indirect.gather [spmem:s3], $0x1, s18, s17, $0xb8;
	[tilespmem:$0x13000] =	vst v63  }
0x3b: {  	s22 =	sadd.s32 $0x1, s22;
	_ =	swait.ge [sflag:s20], $0x7D0  }
0x3c: {  	p0 =	sne.s32 s22, s11;
	[sflag:s20] =	ssyncset.done $0x0  }
.Ltmp1:
0x3d: {  	s23 =	sadd.s32 s7, s23;
	[sflag:s20] =	ssyncadd.s32 $0xFFFFF830;
	(pc) =	sbr.rel @p0 .LBB2_2-.Ltmp1, $4  }
0x3e: {  	[hbm4b:s23+s4] =	stream.linear.scatter [tilespmem:s19], [sflag:$0x2], $0x7D0, $0x38;
	[tilespmem:$0x13000] =	vst v63  }
0x3f: {  	_ =	swait.ge [sflag:s14], $0x7D0  }
0x40: {  	[sflag:s14] =	ssyncset.done $0x0  }
0x41: {  	[sflag:s14] =	ssyncadd.s32 $0xFFFFF830  }
0x42: {  	s21 =	sadd.s32 $0x1, s21  }
0x43: {  	p0 =	sne.s32 s21, s12  }
.Ltmp2:
0x44: {  	_ = 	snop;
	(pc) =	sbr.rel @p0 .LBB2_1-.Ltmp2, $1  }
0x45: {  	_ =	sdelay $0x3  }
0x46: {  	_ =	sfence.sel $0x180000  }
0x47: {  	[bflag:$0x0] =	sbarrier.arrive $0xFFFF  }
0x48: {  	p0 =	sne.s32 s5, $0x0;
	_ =	strace $0x90000047  }
0x49: {  	s0 =	sadd.s32 @!p0 $0x100000, s0;
	[bflag:$0x2] =	sbarrier.arrive $0xFFFF  }
0x4a: {  	[sflag:s0] =	ssyncadd.tile.s32 @!p0 $0x1;
	_ =	shalt  }
.Lfunc_end2:
_tile_overlayer_lowered:
.L_overlay_start_2:
0x4b: {  	(tag) =	ssettag $0x2  }
0x4c: {  	s0 =	rddreg [dreg:$0x0];
	s2 =	stileid.u32  }
0x4d: {  	s1 =	rddreg [dreg:$0x1];
	p0 =	sne.s32 s2, $0x0  }
0x4e: {  	s3 =	rddreg [dreg:$0x2];
	[bflag:$0x3] =	sbarrier.arrive $0xFFFF;
	s2 =	simm.s32 @!p0 $0x1C02  }
0x4f: {  	[timem:s3], [sflag:s2] =	dma.local @!p0 [hbm:s0], s1  }
0x50: {  	s0 =	simm.s32 @!p0 $0x2  }
0x51: {  	_ =	swait.ge @!p0 [sflag:s0], s1  }
0x52: {  	s1 =	ssub.s32 @!p0 $0x0, s1;
	[sflag:s0] =	ssyncset.done @!p0 $0x0  }
0x53: {  	[sflag:s0] =	ssyncadd.s32 @!p0 s1  }
0x54: {  	[bflag:$0x3] =	sbarrier.arrive $0xFFFF  }
0x55: {  	_ =	shalt  }

</sc_bundles>
